<compile_context>
chip_gen: v7x
topology: tpu7x:2x2x1
jax: 0.10.2.dev20260603
libtpu: 0.0.44.dev20260713+nightly
codegen_flags: <defaults>
</compile_context>

<pallas_src>
import functools

import jax
import jax.numpy as jnp
from jax import lax
from jax.experimental import pallas as pl
from jax.experimental.pallas import tpu as pltpu
from jax.experimental.pallas import tpu_sc as plsc

N_NODES = 10000
N_EDGES = 320000
D = 128

NC = 2
NS = 16
NW = NC * NS
NP = 10240
EP = 327680
EPW = EP // NW
STEPS = EPW // 128
BATCH = 128
NBUF = 4
STEPS2 = EPW // BATCH
SPP = STEPS2 // 2
RPW = NP // NW
RPS = NP // NS

_MESH = plsc.VectorSubcoreMesh(core_axis_name="c", subcore_axis_name="s")
_SC_PARAMS = pltpu.CompilerParams(needs_layout_passes=False)


def _rsqrt16(d):
    ibits = plsc.bitcast(d, jnp.int32)
    y = plsc.bitcast(jnp.int32(0x5F3759DF) - (ibits >> 1), jnp.float32)
    half = 0.5 * d
    for _ in range(3):
        y = y * (1.5 - half * y * y)
    return y


@functools.partial(
    pl.kernel,
    mesh=_MESH,
    out_type=(
        jax.ShapeDtypeStruct((NP, D), jnp.float32),
        jax.ShapeDtypeStruct((NC, NS, NP), jnp.float32),
    ),
    scratch_types=[
        pltpu.VMEM((80, 128), jnp.int32),
        pltpu.VMEM((NP,), jnp.float32),
        pltpu.VMEM((NS, RPS), jnp.float32),
        pltpu.VMEM((RPW,), jnp.float32),
        pltpu.VMEM((RPW, D), jnp.float32),
    ],
    compiler_params=_SC_PARAMS,
)
def _deg_dis(dst2_hbm, dism_hbm, cnt_hbm, dbuf, counts, rbuf, disv, obuf):
    cid = lax.axis_index("c")
    sid = lax.axis_index("s")
    wid = sid * NC + cid
    ones = jnp.full((16,), 1.0, jnp.float32)
    zeros16 = jnp.zeros((16,), jnp.float32)

    def zero(i, _):
        counts[pl.ds(i * 16, 16)] = zeros16
        return 0

    lax.fori_loop(0, NP // 16, zero, 0)

    base = sid * (EP // 128 // NS)
    for t in range(EP // 128 // NS // 80):
        pltpu.sync_copy(dst2_hbm.at[pl.ds(base + t * 80, 80)], dbuf)

        def row(r, _):
            for g in range(8):
                idx = dbuf[r, pl.ds(g * 16, 16)]
                plsc.addupdate_scatter(counts, [idx], ones)
            return 0

        lax.fori_loop(0, 80, row, 0)

    pltpu.sync_copy(counts, cnt_hbm.at[cid, sid])
    plsc.subcore_barrier()
    pltpu.sync_copy(cnt_hbm.at[cid, :, pl.ds(sid * RPS, RPS)], rbuf)
    off = cid * RPW
    lo = sid * RPS + off

    def rsq(i, _):
        acc = ones
        for t in range(NS):
            acc = acc + rbuf[t, pl.ds(off + i * 16, 16)]
        disv[pl.ds(i * 16, 16)] = _rsqrt16(acc)
        return 0

    lax.fori_loop(0, RPW // 16, rsq, 0)

    def brow(r, _):
        iv = jnp.zeros((16,), jnp.int32) + r
        s = plsc.load_gather(disv, [iv])
        for g in range(8):
            obuf[r, pl.ds(g * 16, 16)] = s
        return 0

    lax.fori_loop(0, RPW, brow, 0)
    pltpu.sync_copy(obuf, dism_hbm.at[pl.ds(lo, RPW)])


def _mm_body(x_ref, w_ref, d_ref, o_ref):
    o_ref[...] = (
        jnp.dot(x_ref[...], w_ref[...], preferred_element_type=jnp.float32)
        * d_ref[...]
    )


def _matmul_scale(x, W, dism):
    return pl.pallas_call(
        _mm_body,
        grid=(N_NODES // 1000,),
        in_specs=[
            pl.BlockSpec((1000, D), lambda i: (i, 0)),
            pl.BlockSpec((D, D), lambda i: (0, 0)),
            pl.BlockSpec((1000, D), lambda i: (i, 0)),
        ],
        out_specs=pl.BlockSpec((1000, D), lambda i: (i, 0)),
        out_shape=jax.ShapeDtypeStruct((NP, D), jnp.float32),
    )(x, W, dism)


@functools.partial(
    pl.kernel,
    mesh=_MESH,
    out_type=jax.ShapeDtypeStruct((NC, NP, D), jnp.float32),
    scratch_types=[
        pltpu.VMEM((SPP, BATCH), jnp.int32),
        pltpu.VMEM((SPP, BATCH), jnp.int32),
        pltpu.VMEM((BATCH, D), jnp.float32),
        pltpu.VMEM((BATCH, D), jnp.float32),
        pltpu.VMEM_SHARED((NP, D), jnp.float32),
        pltpu.SemaphoreType.DMA,
        pltpu.SemaphoreType.DMA,
    ],
    compiler_params=_SC_PARAMS,
)
def _scatter(h2_hbm, src_hbm, dst_hbm, z_hbm, out_hbm,
             sidx, didx, gb0, gb1, acc, semA, semB):
    cid = lax.axis_index("c")
    sid = lax.axis_index("s")
    wid = sid * NC + cid

    pltpu.sync_copy(z_hbm, acc.at[pl.ds(sid * RPS, RPS)])
    plsc.subcore_barrier()

    for h in range(STEPS2 // SPP):
        pltpu.sync_copy(src_hbm.at[wid, pl.ds(h * SPP, SPP)], sidx)
        pltpu.sync_copy(dst_hbm.at[wid, pl.ds(h * SPP, SPP)], didx)
        pltpu.async_copy(h2_hbm.at[sidx.at[0]], gb0, semA)

        def step(t, _):
            pltpu.async_copy(h2_hbm.at[sidx.at[2 * t + 1]], gb1, semB)
            pltpu.make_async_copy(h2_hbm.at[pl.ds(0, BATCH)], gb0, semA).wait()
            pltpu.sync_copy(gb0, acc.at[didx.at[2 * t]], add=True)

            @pl.when(t < SPP // 2 - 1)
            def _():
                pltpu.async_copy(h2_hbm.at[sidx.at[2 * t + 2]], gb0, semA)

            pltpu.make_async_copy(h2_hbm.at[pl.ds(0, BATCH)], gb1, semB).wait()
            pltpu.sync_copy(gb1, acc.at[didx.at[2 * t + 1]], add=True)
            return 0

        lax.fori_loop(0, SPP // 2, step, 0)
    plsc.subcore_barrier()
    pltpu.sync_copy(
        acc.at[pl.ds(sid * RPS, RPS)], out_hbm.at[cid, pl.ds(sid * RPS, RPS)]
    )


def _fin_body(s_ref, h_ref, d_ref, b_ref, o_ref):
    s = s_ref[0].astype(jnp.float32) + s_ref[1].astype(jnp.float32)
    t = (s + h_ref[...]) * d_ref[...] + b_ref[0:1, :]
    o_ref[...] = jnp.maximum(t, 0.0)


def _finalize(S, h2, dism, b8):
    return pl.pallas_call(
        _fin_body,
        grid=(N_NODES // 1000,),
        in_specs=[
            pl.BlockSpec((NC, 1000, D), lambda i: (0, i, 0)),
            pl.BlockSpec((1000, D), lambda i: (i, 0)),
            pl.BlockSpec((1000, D), lambda i: (i, 0)),
            pl.BlockSpec((8, D), lambda i: (0, 0)),
        ],
        out_specs=pl.BlockSpec((1000, D), lambda i: (i, 0)),
        out_shape=jax.ShapeDtypeStruct((N_NODES, D), jnp.float32),
    )(S, h2, dism, b8)


def kernel(x, edge_index, W, b):
    ei = edge_index.astype(jnp.int32)
    npad = EP - N_EDGES
    pad = N_NODES + jnp.arange(npad, dtype=jnp.int32) % (NP - N_NODES)
    srcp = jnp.concatenate([ei[0], pad]).reshape(NW, STEPS2, BATCH)
    dstp = jnp.concatenate([ei[1], pad])
    dst2 = dstp.reshape(EP // 128, 128)
    dstr = dstp.reshape(NW, STEPS2, BATCH)
    zeros = jnp.zeros((RPS, D), jnp.float32)
    b8 = jnp.broadcast_to(b.astype(jnp.float32), (8, D))

    dism, _ = _deg_dis(dst2)
    h2 = _matmul_scale(x.astype(jnp.float32), W.astype(jnp.float32), dism)
    S = _scatter(h2, srcp, dstr, zeros)
    return _finalize(S, h2, dism, b8)

# --- scband reference (transcript-rebuilt; emitter-appended) ---
"""Pipeline reference for scband-gcn-block-22720376996373 (READ-ONLY COPY).

The authoritative reference and input builder live on the scoring server;
editing this copy changes nothing except your own understanding.
"""

import jax, jax.numpy as jnp
import numpy as np

N_NODES = 10000
N_EDGES = 320000
D_IN = 128
D_OUT = 128

def setup_inputs(seed: int = 0) -> dict:
    key = jax.random.key(seed)
    k1, k2, k3, k4 = jax.random.split(key, 4)
    x = jax.random.normal(k1, (N_NODES, D_IN), dtype=jnp.float32)
    edge_index = jax.random.randint(k2, (2, N_EDGES), 0, N_NODES)
    # GCNConv learned parameters (glorot weight, zero bias like PyG defaults)
    limit = float(np.sqrt(6.0 / (D_IN + D_OUT)))
    W = jax.random.uniform(k3, (D_IN, D_OUT), minval=-limit, maxval=limit, dtype=jnp.float32)
    b = jnp.zeros((D_OUT,), dtype=jnp.float32)
    return {"x": x, "edge_index": edge_index, "W": W, "b": b}

def reference(x, edge_index, W, b):
    # Faithful GCNConv (Kipf & Welling, PyG semantics):
    # 1) linear transform, 2) add self-loops, 3) symmetric normalization
    # D^{-1/2} (A+I) D^{-1/2}, 4) scatter-add aggregation, 5) bias, then ReLU (gcnBlock act).
    n = x.shape[0]
    h = x @ W
    loop = jnp.arange(n, dtype=edge_index.dtype)
    src = jnp.concatenate([edge_index[0], loop])
    dst = jnp.concatenate([edge_index[1], loop])
    deg = jnp.zeros((n,), dtype=h.dtype).at[dst].add(1.0)
    deg_inv_sqrt = jnp.where(deg > 0, jax.lax.rsqrt(deg), 0.0)
    norm = deg_inv_sqrt[src] * deg_inv_sqrt[dst]
    msgs = h[src] * norm[:, None]
    out = jnp.zeros((n, h.shape[1]), dtype=h.dtype).at[dst].add(msgs)
    out = out + b
    return jax.nn.relu(out)

if __name__ == "__main__":
    import jax
    _d = setup_inputs()
    print(jax.jit(kernel)(*tuple(_d.values())))

</pallas_src>

<mosaic_0001>
#map = affine_map<(d0, d1) -> (0, 0)>
#map1 = affine_map<(d0, d1) -> (0, 0, 0)>
module attributes {stable_mosaic.version = 14 : i64} {
  func.func @_deg_dis(%arg0: i32, %arg1: i32, %arg2: memref<2560x128xi32, #tpu.memory_space<hbm>>, %arg3: memref<10240x128xf32, #tpu.memory_space<hbm>>, %arg4: memref<2x16x10240xf32, #tpu.memory_space<hbm>>, %arg5: memref<80x128xi32, #tpu.memory_space<vmem>>, %arg6: memref<10240xf32, #tpu.memory_space<vmem>>, %arg7: memref<16x640xf32, #tpu.memory_space<vmem>>, %arg8: memref<320xf32, #tpu.memory_space<vmem>>, %arg9: memref<320x128xf32, #tpu.memory_space<vmem>>) attributes {dimension_semantics = [#tpu.dimension_semantics<core_parallel>, #tpu.dimension_semantics<subcore_parallel>], iteration_bounds = array<i64: 2, 16>, scalar_prefetch = 0 : i64, scratch_operands = 5 : i64, tpu.core_type = #tpu.core_type<sc_vector_subcore>, window_params = [{transform_indices = #map}, {transform_indices = #map}, {transform_indices = #map1}]} {
    %mul3A = arith.constant 2 : i32
    %mul3A_0 = arith.muli %arg1, %mul3A : i32
    %add3A = arith.addi %mul3A_0, %arg0 : i32
    %broadcast_in_dim3A = arith.constant 1.000000e+00 : f32
    %broadcast_in_dim3A_1 = vector.broadcast %broadcast_in_dim3A : f32 to vector<16xf32>
    %broadcast_in_dim3A_2 = arith.constant 0.000000e+00 : f32
    %broadcast_in_dim3A_3 = vector.broadcast %broadcast_in_dim3A_2 : f32 to vector<16xf32>
    %scan3A = arith.constant 0 : i32
    %scan3A_4 = arith.constant 0 : i32
    %scan3A_5 = arith.constant 640 : i32
    %scan3A_6 = arith.addi %scan3A_4, %scan3A_5 : i32
    %scan3A_7 = arith.constant 1 : i32
    %scan3A_8 = scf.for %scan3A_51 = %scan3A_4 to %scan3A_6 step %scan3A_7 iter_args(%scan3A_52 = %scan3A) -> (i32)  : i32 {
      %mul3A_53 = arith.constant 16 : i32
      %mul3A_54 = arith.muli %scan3A_51, %mul3A_53 : i32
      %swap3A = arith.index_cast %mul3A_54 : i32 to index
      %swap3A_55 = tpu.vector_load %arg6[%swap3A] {strides = array<i32>} : memref<10240xf32, #tpu.memory_space<vmem>>, vector<16xf32>,
      tpu.vector_store %arg6[%swap3A], %broadcast_in_dim3A_3 {strides = array<i32>} : memref<10240xf32, #tpu.memory_space<vmem>>, vector<16xf32>,
      %scan3A_56 = arith.constant 0 : i32
      scf.yield %scan3A_56 : i32
    }
    %scan3A_9 = arith.constant 640 : i32
    %mul3A_10 = arith.constant 160 : i32
    %mul3A_11 = arith.muli %arg1, %mul3A_10 : i32
    %add3A_12 = arith.constant 0 : i32
    %add3A_13 = arith.addi %mul3A_11, %add3A_12 : i32
    "tpu.region"() ({
      %run_scoped3A = tpu.sem_alloc : memref<!tpu.dma_semaphore, #tpu.memory_space<semaphore_mem>>
      %dma_start3A = arith.constant 0 : i32
      %dma_start3A_51 = tpu.memref_slice %arg2[%add3A_13, %dma_start3A] : memref<2560x128xi32, #tpu.memory_space<hbm>> -> memref<80x128xi32, #tpu.memory_space<hbm>>
      %dma_start3A_52 = arith.constant 0 : i32
      %dma_start3A_53 = tpu.memref_slice %arg2[%add3A_13, %dma_start3A_52] : memref<2560x128xi32, #tpu.memory_space<hbm>> -> memref<80x128xi32, #tpu.memory_space<hbm>>
      tpu.enqueue_dma source(%dma_start3A_53 : memref<80x128xi32, #tpu.memory_space<hbm>>) target(%arg5 : memref<80x128xi32, #tpu.memory_space<vmem>>) target_semaphore(%run_scoped3A : memref<!tpu.dma_semaphore, #tpu.memory_space<semaphore_mem>>)
      %dma_wait3A = arith.constant 0 : i32
      %dma_wait3A_54 = tpu.memref_slice %arg2[%add3A_13, %dma_wait3A] : memref<2560x128xi32, #tpu.memory_space<hbm>> -> memref<80x128xi32, #tpu.memory_space<hbm>>
      %dma_wait3A_55 = arith.constant 0 : i32
      %dma_wait3A_56 = tpu.memref_slice %arg2[%add3A_13, %dma_wait3A_55] : memref<2560x128xi32, #tpu.memory_space<hbm>> -> memref<80x128xi32, #tpu.memory_space<hbm>>
      tpu.wait_dma2 semaphore(%run_scoped3A : memref<!tpu.dma_semaphore, #tpu.memory_space<semaphore_mem>>) src(%dma_wait3A_56 : memref<80x128xi32, #tpu.memory_space<hbm>>) dst(%arg5 : memref<80x128xi32, #tpu.memory_space<vmem>>)
      tpu.yield
    }) : () -> ()
    %scan3A_14 = arith.constant 0 : i32
    %scan3A_15 = arith.constant 0 : i32
    %scan3A_16 = arith.constant 80 : i32
    %scan3A_17 = arith.addi %scan3A_15, %scan3A_16 : i32
    %scan3A_18 = arith.constant 1 : i32
    %scan3A_19 = scf.for %scan3A_51 = %scan3A_15 to %scan3A_17 step %scan3A_18 iter_args(%scan3A_52 = %scan3A_14) -> (i32)  : i32 {
      %get3A = arith.index_cast %scan3A_51 : i32 to index
      %get3A_53 = arith.constant 0 : index
      %get3A_54 = tpu.vector_load %arg5[%get3A, %get3A_53] {strides = array<i32>} : memref<80x128xi32, #tpu.memory_space<vmem>>, vector<16xi32>,
      tpu.vector_store_idx %arg6[%get3A_54], %broadcast_in_dim3A_1 {add = true} : memref<10240xf32, #tpu.memory_space<vmem>>[vector<16xi32>], vector<16xf32>,
      %get3A_55 = arith.index_cast %scan3A_51 : i32 to index
      %get3A_56 = arith.constant 16 : index
      %get3A_57 = tpu.vector_load %arg5[%get3A_55, %get3A_56] {strides = array<i32>} : memref<80x128xi32, #tpu.memory_space<vmem>>, vector<16xi32>,
      tpu.vector_store_idx %arg6[%get3A_57], %broadcast_in_dim3A_1 {add = true} : memref<10240xf32, #tpu.memory_space<vmem>>[vector<16xi32>], vector<16xf32>,
      %get3A_58 = arith.index_cast %scan3A_51 : i32 to index
      %get3A_59 = arith.constant 32 : index
      %get3A_60 = tpu.vector_load %arg5[%get3A_58, %get3A_59] {strides = array<i32>} : memref<80x128xi32, #tpu.memory_space<vmem>>, vector<16xi32>,
      tpu.vector_store_idx %arg6[%get3A_60], %broadcast_in_dim3A_1 {add = true} : memref<10240xf32, #tpu.memory_space<vmem>>[vector<16xi32>], vector<16xf32>,
      %get3A_61 = arith.index_cast %scan3A_51 : i32 to index
      %get3A_62 = arith.constant 48 : index
      %get3A_63 = tpu.vector_load %arg5[%get3A_61, %get3A_62] {strides = array<i32>} : memref<80x128xi32, #tpu.memory_space<vmem>>, vector<16xi32>,
      tpu.vector_store_idx %arg6[%get3A_63], %broadcast_in_dim3A_1 {add = true} : memref<10240xf32, #tpu.memory_space<vmem>>[vector<16xi32>], vector<16xf32>,
      %get3A_64 = arith.index_cast %scan3A_51 : i32 to index
      %get3A_65 = arith.constant 64 : index
      %get3A_66 = tpu.vector_load %arg5[%get3A_64, %get3A_65] {strides = array<i32>} : memref<80x128xi32, #tpu.memory_space<vmem>>, vector<16xi32>,
      tpu.vector_store_idx %arg6[%get3A_66], %broadcast_in_dim3A_1 {add = true} : memref<10240xf32, #tpu.memory_space<vmem>>[vector<16xi32>], vector<16xf32>,
      %get3A_67 = arith.index_cast %scan3A_51 : i32 to index
      %get3A_68 = arith.constant 80 : index
      %get3A_69 = tpu.vector_load %arg5[%get3A_67, %get3A_68] {strides = array<i32>} : memref<80x128xi32, #tpu.memory_space<vmem>>, vector<16xi32>,
      tpu.vector_store_idx %arg6[%get3A_69], %broadcast_in_dim3A_1 {add = true} : memref<10240xf32, #tpu.memory_space<vmem>>[vector<16xi32>], vector<16xf32>,
      %get3A_70 = arith.index_cast %scan3A_51 : i32 to index
      %get3A_71 = arith.constant 96 : index
      %get3A_72 = tpu.vector_load %arg5[%get3A_70, %get3A_71] {strides = array<i32>} : memref<80x128xi32, #tpu.memory_space<vmem>>, vector<16xi32>,
      tpu.vector_store_idx %arg6[%get3A_72], %broadcast_in_dim3A_1 {add = true} : memref<10240xf32, #tpu.memory_space<vmem>>[vector<16xi32>], vector<16xf32>,
      %get3A_73 = arith.index_cast %scan3A_51 : i32 to index
      %get3A_74 = arith.constant 112 : index
      %get3A_75 = tpu.vector_load %arg5[%get3A_73, %get3A_74] {strides = array<i32>} : memref<80x128xi32, #tpu.memory_space<vmem>>, vector<16xi32>,
      tpu.vector_store_idx %arg6[%get3A_75], %broadcast_in_dim3A_1 {add = true} : memref<10240xf32, #tpu.memory_space<vmem>>[vector<16xi32>], vector<16xf32>,
      %scan3A_76 = arith.constant 0 : i32
      scf.yield %scan3A_76 : i32
    }
    %scan3A_20 = arith.constant 80 : i32
    %add3A_21 = arith.constant 80 : i32
    %add3A_22 = arith.addi %mul3A_11, %add3A_21 : i32
    "tpu.region"() ({
      %run_scoped3A = tpu.sem_alloc : memref<!tpu.dma_semaphore, #tpu.memory_space<semaphore_mem>>
      %dma_start3A = arith.constant 0 : i32
      %dma_start3A_51 = tpu.memref_slice %arg2[%add3A_22, %dma_start3A] : memref<2560x128xi32, #tpu.memory_space<hbm>> -> memref<80x128xi32, #tpu.memory_space<hbm>>
      %dma_start3A_52 = arith.constant 0 : i32
      %dma_start3A_53 = tpu.memref_slice %arg2[%add3A_22, %dma_start3A_52] : memref<2560x128xi32, #tpu.memory_space<hbm>> -> memref<80x128xi32, #tpu.memory_space<hbm>>
      tpu.enqueue_dma source(%dma_start3A_53 : memref<80x128xi32, #tpu.memory_space<hbm>>) target(%arg5 : memref<80x128xi32, #tpu.memory_space<vmem>>) target_semaphore(%run_scoped3A : memref<!tpu.dma_semaphore, #tpu.memory_space<semaphore_mem>>)
      %dma_wait3A = arith.constant 0 : i32
      %dma_wait3A_54 = tpu.memref_slice %arg2[%add3A_22, %dma_wait3A] : memref<2560x128xi32, #tpu.memory_space<hbm>> -> memref<80x128xi32, #tpu.memory_space<hbm>>
      %dma_wait3A_55 = arith.constant 0 : i32
      %dma_wait3A_56 = tpu.memref_slice %arg2[%add3A_22, %dma_wait3A_55] : memref<2560x128xi32, #tpu.memory_space<hbm>> -> memref<80x128xi32, #tpu.memory_space<hbm>>
      tpu.wait_dma2 semaphore(%run_scoped3A : memref<!tpu.dma_semaphore, #tpu.memory_space<semaphore_mem>>) src(%dma_wait3A_56 : memref<80x128xi32, #tpu.memory_space<hbm>>) dst(%arg5 : memref<80x128xi32, #tpu.memory_space<vmem>>)
      tpu.yield
    }) : () -> ()
    %scan3A_23 = arith.constant 0 : i32
    %scan3A_24 = arith.constant 0 : i32
    %scan3A_25 = arith.constant 80 : i32
    %scan3A_26 = arith.addi %scan3A_24, %scan3A_25 : i32
    %scan3A_27 = arith.constant 1 : i32
    %scan3A_28 = scf.for %scan3A_51 = %scan3A_24 to %scan3A_26 step %scan3A_27 iter_args(%scan3A_52 = %scan3A_23) -> (i32)  : i32 {
      %get3A = arith.index_cast %scan3A_51 : i32 to index
      %get3A_53 = arith.constant 0 : index
      %get3A_54 = tpu.vector_load %arg5[%get3A, %get3A_53] {strides = array<i32>} : memref<80x128xi32, #tpu.memory_space<vmem>>, vector<16xi32>,
      tpu.vector_store_idx %arg6[%get3A_54], %broadcast_in_dim3A_1 {add = true} : memref<10240xf32, #tpu.memory_space<vmem>>[vector<16xi32>], vector<16xf32>,
      %get3A_55 = arith.index_cast %scan3A_51 : i32 to index
      %get3A_56 = arith.constant 16 : index
      %get3A_57 = tpu.vector_load %arg5[%get3A_55, %get3A_56] {strides = array<i32>} : memref<80x128xi32, #tpu.memory_space<vmem>>, vector<16xi32>,
      tpu.vector_store_idx %arg6[%get3A_57], %broadcast_in_dim3A_1 {add = true} : memref<10240xf32, #tpu.memory_space<vmem>>[vector<16xi32>], vector<16xf32>,
      %get3A_58 = arith.index_cast %scan3A_51 : i32 to index
      %get3A_59 = arith.constant 32 : index
      %get3A_60 = tpu.vector_load %arg5[%get3A_58, %get3A_59] {strides = array<i32>} : memref<80x128xi32, #tpu.memory_space<vmem>>, vector<16xi32>,
      tpu.vector_store_idx %arg6[%get3A_60], %broadcast_in_dim3A_1 {add = true} : memref<10240xf32, #tpu.memory_space<vmem>>[vector<16xi32>], vector<16xf32>,
      %get3A_61 = arith.index_cast %scan3A_51 : i32 to index
      %get3A_62 = arith.constant 48 : index
      %get3A_63 = tpu.vector_load %arg5[%get3A_61, %get3A_62] {strides = array<i32>} : memref<80x128xi32, #tpu.memory_space<vmem>>, vector<16xi32>,
      tpu.vector_store_idx %arg6[%get3A_63], %broadcast_in_dim3A_1 {add = true} : memref<10240xf32, #tpu.memory_space<vmem>>[vector<16xi32>], vector<16xf32>,
      %get3A_64 = arith.index_cast %scan3A_51 : i32 to index
      %get3A_65 = arith.constant 64 : index
      %get3A_66 = tpu.vector_load %arg5[%get3A_64, %get3A_65] {strides = array<i32>} : memref<80x128xi32, #tpu.memory_space<vmem>>, vector<16xi32>,
      tpu.vector_store_idx %arg6[%get3A_66], %broadcast_in_dim3A_1 {add = true} : memref<10240xf32, #tpu.memory_space<vmem>>[vector<16xi32>], vector<16xf32>,
      %get3A_67 = arith.index_cast %scan3A_51 : i32 to index
      %get3A_68 = arith.constant 80 : index
      %get3A_69 = tpu.vector_load %arg5[%get3A_67, %get3A_68] {strides = array<i32>} : memref<80x128xi32, #tpu.memory_space<vmem>>, vector<16xi32>,
      tpu.vector_store_idx %arg6[%get3A_69], %broadcast_in_dim3A_1 {add = true} : memref<10240xf32, #tpu.memory_space<vmem>>[vector<16xi32>], vector<16xf32>,
      %get3A_70 = arith.index_cast %scan3A_51 : i32 to index
      %get3A_71 = arith.constant 96 : index
      %get3A_72 = tpu.vector_load %arg5[%get3A_70, %get3A_71] {strides = array<i32>} : memref<80x128xi32, #tpu.memory_space<vmem>>, vector<16xi32>,
      tpu.vector_store_idx %arg6[%get3A_72], %broadcast_in_dim3A_1 {add = true} : memref<10240xf32, #tpu.memory_space<vmem>>[vector<16xi32>], vector<16xf32>,
      %get3A_73 = arith.index_cast %scan3A_51 : i32 to index
      %get3A_74 = arith.constant 112 : index
      %get3A_75 = tpu.vector_load %arg5[%get3A_73, %get3A_74] {strides = array<i32>} : memref<80x128xi32, #tpu.memory_space<vmem>>, vector<16xi32>,
      tpu.vector_store_idx %arg6[%get3A_75], %broadcast_in_dim3A_1 {add = true} : memref<10240xf32, #tpu.memory_space<vmem>>[vector<16xi32>], vector<16xf32>,
      %scan3A_76 = arith.constant 0 : i32
      scf.yield %scan3A_76 : i32
    }
    %scan3A_29 = arith.constant 80 : i32
    "tpu.region"() ({
      %run_scoped3A = tpu.sem_alloc : memref<!tpu.dma_semaphore, #tpu.memory_space<semaphore_mem>>
      %dma_start3A = arith.constant 0 : i32
      %dma_start3A_51 = tpu.memref_slice %arg4[%arg0, %arg1, %dma_start3A] : memref<2x16x10240xf32, #tpu.memory_space<hbm>> -> memref<1x1x10240xf32, #tpu.memory_space<hbm>>
      %dma_start3A_52 = tpu.memref_squeeze %dma_start3A_51 : memref<1x1x10240xf32, #tpu.memory_space<hbm>> -> memref<10240xf32, #tpu.memory_space<hbm>>
      %dma_start3A_53 = arith.constant 0 : i32
      %dma_start3A_54 = tpu.memref_slice %arg4[%arg0, %arg1, %dma_start3A_53] : memref<2x16x10240xf32, #tpu.memory_space<hbm>> -> memref<1x1x10240xf32, #tpu.memory_space<hbm>>
      %dma_start3A_55 = tpu.memref_squeeze %dma_start3A_54 : memref<1x1x10240xf32, #tpu.memory_space<hbm>> -> memref<10240xf32, #tpu.memory_space<hbm>>
      tpu.enqueue_dma source(%arg6 : memref<10240xf32, #tpu.memory_space<vmem>>) target(%dma_start3A_55 : memref<10240xf32, #tpu.memory_space<hbm>>) target_semaphore(%run_scoped3A : memref<!tpu.dma_semaphore, #tpu.memory_space<semaphore_mem>>)
      %dma_wait3A = arith.constant 0 : i32
      %dma_wait3A_56 = tpu.memref_slice %arg4[%arg0, %arg1, %dma_wait3A] : memref<2x16x10240xf32, #tpu.memory_space<hbm>> -> memref<1x1x10240xf32, #tpu.memory_space<hbm>>
      %dma_wait3A_57 = tpu.memref_squeeze %dma_wait3A_56 : memref<1x1x10240xf32, #tpu.memory_space<hbm>> -> memref<10240xf32, #tpu.memory_space<hbm>>
      %dma_wait3A_58 = arith.constant 0 : i32
      %dma_wait3A_59 = tpu.memref_slice %arg4[%arg0, %arg1, %dma_wait3A_58] : memref<2x16x10240xf32, #tpu.memory_space<hbm>> -> memref<1x1x10240xf32, #tpu.memory_space<hbm>>
      %dma_wait3A_60 = tpu.memref_squeeze %dma_wait3A_59 : memref<1x1x10240xf32, #tpu.memory_space<hbm>> -> memref<10240xf32, #tpu.memory_space<hbm>>
      tpu.wait_dma2 semaphore(%run_scoped3A : memref<!tpu.dma_semaphore, #tpu.memory_space<semaphore_mem>>) src(%arg6 : memref<10240xf32, #tpu.memory_space<vmem>>) dst(%dma_wait3A_60 : memref<10240xf32, #tpu.memory_space<hbm>>)
      tpu.yield
    }) : () -> ()
    %barrier3A = arith.constant 0 : index
    tpu.barrier barrier_id(%barrier3A)
    %mul3A_30 = arith.constant 640 : i32
    %mul3A_31 = arith.muli %arg1, %mul3A_30 : i32
    "tpu.region"() ({
      %run_scoped3A = tpu.sem_alloc : memref<!tpu.dma_semaphore, #tpu.memory_space<semaphore_mem>>
      %dma_start3A = arith.constant 0 : i32
      %dma_start3A_51 = tpu.memref_slice %arg4[%arg0, %dma_start3A, %mul3A_31] : memref<2x16x10240xf32, #tpu.memory_space<hbm>> -> memref<1x16x640xf32, #tpu.memory_space<hbm>>
      %dma_start3A_52 = tpu.memref_squeeze %dma_start3A_51 : memref<1x16x640xf32, #tpu.memory_space<hbm>> -> memref<16x640xf32, #tpu.memory_space<hbm>>
      %dma_start3A_53 = arith.constant 0 : i32
      %dma_start3A_54 = tpu.memref_slice %arg4[%arg0, %dma_start3A_53, %mul3A_31] : memref<2x16x10240xf32, #tpu.memory_space<hbm>> -> memref<1x16x640xf32, #tpu.memory_space<hbm>>
      %dma_start3A_55 = tpu.memref_squeeze %dma_start3A_54 : memref<1x16x640xf32, #tpu.memory_space<hbm>> -> memref<16x640xf32, #tpu.memory_space<hbm>>
      tpu.enqueue_dma source(%dma_start3A_55 : memref<16x640xf32, #tpu.memory_space<hbm>>) target(%arg7 : memref<16x640xf32, #tpu.memory_space<vmem>>) target_semaphore(%run_scoped3A : memref<!tpu.dma_semaphore, #tpu.memory_space<semaphore_mem>>)
      %dma_wait3A = arith.constant 0 : i32
      %dma_wait3A_56 = tpu.memref_slice %arg4[%arg0, %dma_wait3A, %mul3A_31] : memref<2x16x10240xf32, #tpu.memory_space<hbm>> -> memref<1x16x640xf32, #tpu.memory_space<hbm>>
      %dma_wait3A_57 = tpu.memref_squeeze %dma_wait3A_56 : memref<1x16x640xf32, #tpu.memory_space<hbm>> -> memref<16x640xf32, #tpu.memory_space<hbm>>
      %dma_wait3A_58 = arith.constant 0 : i32
      %dma_wait3A_59 = tpu.memref_slice %arg4[%arg0, %dma_wait3A_58, %mul3A_31] : memref<2x16x10240xf32, #tpu.memory_space<hbm>> -> memref<1x16x640xf32, #tpu.memory_space<hbm>>
      %dma_wait3A_60 = tpu.memref_squeeze %dma_wait3A_59 : memref<1x16x640xf32, #tpu.memory_space<hbm>> -> memref<16x640xf32, #tpu.memory_space<hbm>>
      tpu.wait_dma2 semaphore(%run_scoped3A : memref<!tpu.dma_semaphore, #tpu.memory_space<semaphore_mem>>) src(%dma_wait3A_60 : memref<16x640xf32, #tpu.memory_space<hbm>>) dst(%arg7 : memref<16x640xf32, #tpu.memory_space<vmem>>)
      tpu.yield
    }) : () -> ()
    %mul3A_32 = arith.constant 320 : i32
    %mul3A_33 = arith.muli %arg0, %mul3A_32 : i32
    %mul3A_34 = arith.constant 640 : i32
    %mul3A_35 = arith.muli %arg1, %mul3A_34 : i32
    %add3A_36 = arith.addi %mul3A_35, %mul3A_33 : i32
    %scan3A_37 = arith.constant 0 : i32
    %scan3A_38 = arith.constant 0 : i32
    %scan3A_39 = arith.constant 20 : i32
    %scan3A_40 = arith.addi %scan3A_38, %scan3A_39 : i32
    %scan3A_41 = arith.constant 1 : i32
    %scan3A_42 = scf.for %scan3A_51 = %scan3A_38 to %scan3A_40 step %scan3A_41 iter_args(%scan3A_52 = %scan3A_37) -> (i32)  : i32 {
      %mul3A_53 = arith.constant 16 : i32
      %mul3A_54 = arith.muli %scan3A_51, %mul3A_53 : i32
      %add3A_55 = arith.addi %mul3A_33, %mul3A_54 : i32
      %get3A = arith.constant 0 : i32
      %get3A_56 = arith.index_cast %get3A : i32 to index
      %get3A_57 = arith.index_cast %add3A_55 : i32 to index
      %get3A_58 = tpu.vector_load %arg7[%get3A_56, %get3A_57] {strides = array<i32>} : memref<16x640xf32, #tpu.memory_space<vmem>>, vector<16xf32>,
      %add3A_59 = arith.addf %broadcast_in_dim3A_1, %get3A_58 : vector<16xf32>
      %mul3A_60 = arith.constant 16 : i32
      %mul3A_61 = arith.muli %scan3A_51, %mul3A_60 : i32
      %add3A_62 = arith.addi %mul3A_33, %mul3A_61 : i32
      %get3A_63 = arith.constant 1 : i32
      %get3A_64 = arith.index_cast %get3A_63 : i32 to index
      %get3A_65 = arith.index_cast %add3A_62 : i32 to index
      %get3A_66 = tpu.vector_load %arg7[%get3A_64, %get3A_65] {strides = array<i32>} : memref<16x640xf32, #tpu.memory_space<vmem>>, vector<16xf32>,
      %add3A_67 = arith.addf %add3A_59, %get3A_66 : vector<16xf32>
      %mul3A_68 = arith.constant 16 : i32
      %mul3A_69 = arith.muli %scan3A_51, %mul3A_68 : i32
      %add3A_70 = arith.addi %mul3A_33, %mul3A_69 : i32
      %get3A_71 = arith.constant 2 : i32
      %get3A_72 = arith.index_cast %get3A_71 : i32 to index
      %get3A_73 = arith.index_cast %add3A_70 : i32 to index
      %get3A_74 = tpu.vector_load %arg7[%get3A_72, %get3A_73] {strides = array<i32>} : memref<16x640xf32, #tpu.memory_space<vmem>>, vector<16xf32>,
      %add3A_75 = arith.addf %add3A_67, %get3A_74 : vector<16xf32>
      %mul3A_76 = arith.constant 16 : i32
      %mul3A_77 = arith.muli %scan3A_51, %mul3A_76 : i32
      %add3A_78 = arith.addi %mul3A_33, %mul3A_77 : i32
      %get3A_79 = arith.constant 3 : i32
      %get3A_80 = arith.index_cast %get3A_79 : i32 to index
      %get3A_81 = arith.index_cast %add3A_78 : i32 to index
      %get3A_82 = tpu.vector_load %arg7[%get3A_80, %get3A_81] {strides = array<i32>} : memref<16x640xf32, #tpu.memory_space<vmem>>, vector<16xf32>,
      %add3A_83 = arith.addf %add3A_75, %get3A_82 : vector<16xf32>
      %mul3A_84 = arith.constant 16 : i32
      %mul3A_85 = arith.muli %scan3A_51, %mul3A_84 : i32
      %add3A_86 = arith.addi %mul3A_33, %mul3A_85 : i32
      %get3A_87 = arith.constant 4 : i32
      %get3A_88 = arith.index_cast %get3A_87 : i32 to index
      %get3A_89 = arith.index_cast %add3A_86 : i32 to index
      %get3A_90 = tpu.vector_load %arg7[%get3A_88, %get3A_89] {strides = array<i32>} : memref<16x640xf32, #tpu.memory_space<vmem>>, vector<16xf32>,
      %add3A_91 = arith.addf %add3A_83, %get3A_90 : vector<16xf32>
      %mul3A_92 = arith.constant 16 : i32
      %mul3A_93 = arith.muli %scan3A_51, %mul3A_92 : i32
      %add3A_94 = arith.addi %mul3A_33, %mul3A_93 : i32
      %get3A_95 = arith.constant 5 : i32
      %get3A_96 = arith.index_cast %get3A_95 : i32 to index
      %get3A_97 = arith.index_cast %add3A_94 : i32 to index
      %get3A_98 = tpu.vector_load %arg7[%get3A_96, %get3A_97] {strides = array<i32>} : memref<16x640xf32, #tpu.memory_space<vmem>>, vector<16xf32>,
      %add3A_99 = arith.addf %add3A_91, %get3A_98 : vector<16xf32>
      %mul3A_100 = arith.constant 16 : i32
      %mul3A_101 = arith.muli %scan3A_51, %mul3A_100 : i32
      %add3A_102 = arith.addi %mul3A_33, %mul3A_101 : i32
      %get3A_103 = arith.constant 6 : i32
      %get3A_104 = arith.index_cast %get3A_103 : i32 to index
      %get3A_105 = arith.index_cast %add3A_102 : i32 to index
      %get3A_106 = tpu.vector_load %arg7[%get3A_104, %get3A_105] {strides = array<i32>} : memref<16x640xf32, #tpu.memory_space<vmem>>, vector<16xf32>,
      %add3A_107 = arith.addf %add3A_99, %get3A_106 : vector<16xf32>
      %mul3A_108 = arith.constant 16 : i32
      %mul3A_109 = arith.muli %scan3A_51, %mul3A_108 : i32
      %add3A_110 = arith.addi %mul3A_33, %mul3A_109 : i32
      %get3A_111 = arith.constant 7 : i32
      %get3A_112 = arith.index_cast %get3A_111 : i32 to index
      %get3A_113 = arith.index_cast %add3A_110 : i32 to index
      %get3A_114 = tpu.vector_load %arg7[%get3A_112, %get3A_113] {strides = array<i32>} : memref<16x640xf32, #tpu.memory_space<vmem>>, vector<16xf32>,
      %add3A_115 = arith.addf %add3A_107, %get3A_114 : vector<16xf32>
      %mul3A_116 = arith.constant 16 : i32
      %mul3A_117 = arith.muli %scan3A_51, %mul3A_116 : i32
      %add3A_118 = arith.addi %mul3A_33, %mul3A_117 : i32
      %get3A_119 = arith.constant 8 : i32
      %get3A_120 = arith.index_cast %get3A_119 : i32 to index
      %get3A_121 = arith.index_cast %add3A_118 : i32 to index
      %get3A_122 = tpu.vector_load %arg7[%get3A_120, %get3A_121] {strides = array<i32>} : memref<16x640xf32, #tpu.memory_space<vmem>>, vector<16xf32>,
      %add3A_123 = arith.addf %add3A_115, %get3A_122 : vector<16xf32>
      %mul3A_124 = arith.constant 16 : i32
      %mul3A_125 = arith.muli %scan3A_51, %mul3A_124 : i32
      %add3A_126 = arith.addi %mul3A_33, %mul3A_125 : i32
      %get3A_127 = arith.constant 9 : i32
      %get3A_128 = arith.index_cast %get3A_127 : i32 to index
      %get3A_129 = arith.index_cast %add3A_126 : i32 to index
      %get3A_130 = tpu.vector_load %arg7[%get3A_128, %get3A_129] {strides = array<i32>} : memref<16x640xf32, #tpu.memory_space<vmem>>, vector<16xf32>,
      %add3A_131 = arith.addf %add3A_123, %get3A_130 : vector<16xf32>
      %mul3A_132 = arith.constant 16 : i32
      %mul3A_133 = arith.muli %scan3A_51, %mul3A_132 : i32
      %add3A_134 = arith.addi %mul3A_33, %mul3A_133 : i32
      %get3A_135 = arith.constant 10 : i32
      %get3A_136 = arith.index_cast %get3A_135 : i32 to index
      %get3A_137 = arith.index_cast %add3A_134 : i32 to index
      %get3A_138 = tpu.vector_load %arg7[%get3A_136, %get3A_137] {strides = array<i32>} : memref<16x640xf32, #tpu.memory_space<vmem>>, vector<16xf32>,
      %add3A_139 = arith.addf %add3A_131, %get3A_138 : vector<16xf32>
      %mul3A_140 = arith.constant 16 : i32
      %mul3A_141 = arith.muli %scan3A_51, %mul3A_140 : i32
      %add3A_142 = arith.addi %mul3A_33, %mul3A_141 : i32
      %get3A_143 = arith.constant 11 : i32
      %get3A_144 = arith.index_cast %get3A_143 : i32 to index
      %get3A_145 = arith.index_cast %add3A_142 : i32 to index
      %get3A_146 = tpu.vector_load %arg7[%get3A_144, %get3A_145] {strides = array<i32>} : memref<16x640xf32, #tpu.memory_space<vmem>>, vector<16xf32>,
      %add3A_147 = arith.addf %add3A_139, %get3A_146 : vector<16xf32>
      %mul3A_148 = arith.constant 16 : i32
      %mul3A_149 = arith.muli %scan3A_51, %mul3A_148 : i32
      %add3A_150 = arith.addi %mul3A_33, %mul3A_149 : i32
      %get3A_151 = arith.constant 12 : i32
      %get3A_152 = arith.index_cast %get3A_151 : i32 to index
      %get3A_153 = arith.index_cast %add3A_150 : i32 to index
      %get3A_154 = tpu.vector_load %arg7[%get3A_152, %get3A_153] {strides = array<i32>} : memref<16x640xf32, #tpu.memory_space<vmem>>, vector<16xf32>,
      %add3A_155 = arith.addf %add3A_147, %get3A_154 : vector<16xf32>
      %mul3A_156 = arith.constant 16 : i32
      %mul3A_157 = arith.muli %scan3A_51, %mul3A_156 : i32
      %add3A_158 = arith.addi %mul3A_33, %mul3A_157 : i32
      %get3A_159 = arith.constant 13 : i32
      %get3A_160 = arith.index_cast %get3A_159 : i32 to index
      %get3A_161 = arith.index_cast %add3A_158 : i32 to index
      %get3A_162 = tpu.vector_load %arg7[%get3A_160, %get3A_161] {strides = array<i32>} : memref<16x640xf32, #tpu.memory_space<vmem>>, vector<16xf32>,
      %add3A_163 = arith.addf %add3A_155, %get3A_162 : vector<16xf32>
      %mul3A_164 = arith.constant 16 : i32
      %mul3A_165 = arith.muli %scan3A_51, %mul3A_164 : i32
      %add3A_166 = arith.addi %mul3A_33, %mul3A_165 : i32
      %get3A_167 = arith.constant 14 : i32
      %get3A_168 = arith.index_cast %get3A_167 : i32 to index
      %get3A_169 = arith.index_cast %add3A_166 : i32 to index
      %get3A_170 = tpu.vector_load %arg7[%get3A_168, %get3A_169] {strides = array<i32>} : memref<16x640xf32, #tpu.memory_space<vmem>>, vector<16xf32>,
      %add3A_171 = arith.addf %add3A_163, %get3A_170 : vector<16xf32>
      %mul3A_172 = arith.constant 16 : i32
      %mul3A_173 = arith.muli %scan3A_51, %mul3A_172 : i32
      %add3A_174 = arith.addi %mul3A_33, %mul3A_173 : i32
      %get3A_175 = arith.constant 15 : i32
      %get3A_176 = arith.index_cast %get3A_175 : i32 to index
      %get3A_177 = arith.index_cast %add3A_174 : i32 to index
      %get3A_178 = tpu.vector_load %arg7[%get3A_176, %get3A_177] {strides = array<i32>} : memref<16x640xf32, #tpu.memory_space<vmem>>, vector<16xf32>,
      %add3A_179 = arith.addf %add3A_171, %get3A_178 : vector<16xf32>
      %bitcast3A = vector.bitcast %add3A_179 : vector<16xf32> to vector<16xi32>
      %shift_right_arithmetic3A = arith.constant 1 : i32
      %shift_right_arithmetic3A_180 = vector.broadcast %shift_right_arithmetic3A : i32 to vector<16xi32>
      %shift_right_arithmetic3A_181 = arith.shrsi %bitcast3A, %shift_right_arithmetic3A_180 : vector<16xi32>
      %sub3A = arith.constant 1597463007 : i32
      %sub3A_182 = vector.broadcast %sub3A : i32 to vector<16xi32>
      %sub3A_183 = arith.subi %sub3A_182, %shift_right_arithmetic3A_181 : vector<16xi32>
      %bitcast3A_184 = vector.bitcast %sub3A_183 : vector<16xi32> to vector<16xf32>
      %mul3A_185 = arith.constant 5.000000e-01 : f32
      %mul3A_186 = vector.broadcast %mul3A_185 : f32 to vector<16xf32>
      %mul3A_187 = arith.mulf %mul3A_186, %add3A_179 : vector<16xf32>
      %mul3A_188 = arith.mulf %mul3A_187, %bitcast3A_184 : vector<16xf32>
      %mul3A_189 = arith.mulf %mul3A_188, %bitcast3A_184 : vector<16xf32>
      %sub3A_190 = arith.constant 1.500000e+00 : f32
      %sub3A_191 = vector.broadcast %sub3A_190 : f32 to vector<16xf32>
      %sub3A_192 = arith.subf %sub3A_191, %mul3A_189 : vector<16xf32>
      %mul3A_193 = arith.mulf %bitcast3A_184, %sub3A_192 : vector<16xf32>
      %mul3A_194 = arith.mulf %mul3A_187, %mul3A_193 : vector<16xf32>
      %mul3A_195 = arith.mulf %mul3A_194, %mul3A_193 : vector<16xf32>
      %sub3A_196 = arith.constant 1.500000e+00 : f32
      %sub3A_197 = vector.broadcast %sub3A_196 : f32 to vector<16xf32>
      %sub3A_198 = arith.subf %sub3A_197, %mul3A_195 : vector<16xf32>
      %mul3A_199 = arith.mulf %mul3A_193, %sub3A_198 : vector<16xf32>
      %mul3A_200 = arith.mulf %mul3A_187, %mul3A_199 : vector<16xf32>
      %mul3A_201 = arith.mulf %mul3A_200, %mul3A_199 : vector<16xf32>
      %sub3A_202 = arith.constant 1.500000e+00 : f32
      %sub3A_203 = vector.broadcast %sub3A_202 : f32 to vector<16xf32>
      %sub3A_204 = arith.subf %sub3A_203, %mul3A_201 : vector<16xf32>
      %mul3A_205 = arith.mulf %mul3A_199, %sub3A_204 : vector<16xf32>
      %mul3A_206 = arith.constant 16 : i32
      %mul3A_207 = arith.muli %scan3A_51, %mul3A_206 : i32
      %swap3A = arith.index_cast %mul3A_207 : i32 to index
      %swap3A_208 = tpu.vector_load %arg8[%swap3A] {strides = array<i32>} : memref<320xf32, #tpu.memory_space<vmem>>, vector<16xf32>,
      tpu.vector_store %arg8[%swap3A], %mul3A_205 {strides = array<i32>} : memref<320xf32, #tpu.memory_space<vmem>>, vector<16xf32>,
      %scan3A_209 = arith.constant 0 : i32
      scf.yield %scan3A_209 : i32
    }
    %scan3A_43 = arith.constant 20 : i32
    %scan3A_44 = arith.constant 0 : i32
    %scan3A_45 = arith.constant 0 : i32
    %scan3A_46 = arith.constant 320 : i32
    %scan3A_47 = arith.addi %scan3A_45, %scan3A_46 : i32
    %scan3A_48 = arith.constant 1 : i32
    %scan3A_49 = scf.for %scan3A_51 = %scan3A_45 to %scan3A_47 step %scan3A_48 iter_args(%scan3A_52 = %scan3A_44) -> (i32)  : i32 {
      %broadcast_in_dim3A_53 = arith.constant 0 : i32
      %broadcast_in_dim3A_54 = vector.broadcast %broadcast_in_dim3A_53 : i32 to vector<16xi32>
      %add3A_55 = vector.broadcast %scan3A_51 : i32 to vector<16xi32>
      %add3A_56 = arith.addi %broadcast_in_dim3A_54, %add3A_55 : vector<16xi32>
      %gather3A = tpu.vector_load_idx %arg8[%add3A_56] : memref<320xf32, #tpu.memory_space<vmem>>[vector<16xi32>], vector<16xf32>,
      %swap3A = arith.index_cast %scan3A_51 : i32 to index
      %swap3A_57 = arith.constant 0 : index
      %swap3A_58 = tpu.vector_load %arg9[%swap3A, %swap3A_57] {strides = array<i32>} : memref<320x128xf32, #tpu.memory_space<vmem>>, vector<16xf32>,
      tpu.vector_store %arg9[%swap3A, %swap3A_57], %gather3A {strides = array<i32>} : memref<320x128xf32, #tpu.memory_space<vmem>>, vector<16xf32>,
      %swap3A_59 = arith.index_cast %scan3A_51 : i32 to index
      %swap3A_60 = arith.constant 16 : index
      %swap3A_61 = tpu.vector_load %arg9[%swap3A_59, %swap3A_60] {strides = array<i32>} : memref<320x128xf32, #tpu.memory_space<vmem>>, vector<16xf32>,
      tpu.vector_store %arg9[%swap3A_59, %swap3A_60], %gather3A {strides = array<i32>} : memref<320x128xf32, #tpu.memory_space<vmem>>, vector<16xf32>,
      %swap3A_62 = arith.index_cast %scan3A_51 : i32 to index
      %swap3A_63 = arith.constant 32 : index
      %swap3A_64 = tpu.vector_load %arg9[%swap3A_62, %swap3A_63] {strides = array<i32>} : memref<320x128xf32, #tpu.memory_space<vmem>>, vector<16xf32>,
      tpu.vector_store %arg9[%swap3A_62, %swap3A_63], %gather3A {strides = array<i32>} : memref<320x128xf32, #tpu.memory_space<vmem>>, vector<16xf32>,
      %swap3A_65 = arith.index_cast %scan3A_51 : i32 to index
      %swap3A_66 = arith.constant 48 : index
      %swap3A_67 = tpu.vector_load %arg9[%swap3A_65, %swap3A_66] {strides = array<i32>} : memref<320x128xf32, #tpu.memory_space<vmem>>, vector<16xf32>,
      tpu.vector_store %arg9[%swap3A_65, %swap3A_66], %gather3A {strides = array<i32>} : memref<320x128xf32, #tpu.memory_space<vmem>>, vector<16xf32>,
      %swap3A_68 = arith.index_cast %scan3A_51 : i32 to index
      %swap3A_69 = arith.constant 64 : index
      %swap3A_70 = tpu.vector_load %arg9[%swap3A_68, %swap3A_69] {strides = array<i32>} : memref<320x128xf32, #tpu.memory_space<vmem>>, vector<16xf32>,
      tpu.vector_store %arg9[%swap3A_68, %swap3A_69], %gather3A {strides = array<i32>} : memref<320x128xf32, #tpu.memory_space<vmem>>, vector<16xf32>,
      %swap3A_71 = arith.index_cast %scan3A_51 : i32 to index
      %swap3A_72 = arith.constant 80 : index
      %swap3A_73 = tpu.vector_load %arg9[%swap3A_71, %swap3A_72] {strides = array<i32>} : memref<320x128xf32, #tpu.memory_space<vmem>>, vector<16xf32>,
      tpu.vector_store %arg9[%swap3A_71, %swap3A_72], %gather3A {strides = array<i32>} : memref<320x128xf32, #tpu.memory_space<vmem>>, vector<16xf32>,
      %swap3A_74 = arith.index_cast %scan3A_51 : i32 to index
      %swap3A_75 = arith.constant 96 : index
      %swap3A_76 = tpu.vector_load %arg9[%swap3A_74, %swap3A_75] {strides = array<i32>} : memref<320x128xf32, #tpu.memory_space<vmem>>, vector<16xf32>,
      tpu.vector_store %arg9[%swap3A_74, %swap3A_75], %gather3A {strides = array<i32>} : memref<320x128xf32, #tpu.memory_space<vmem>>, vector<16xf32>,
      %swap3A_77 = arith.index_cast %scan3A_51 : i32 to index
      %swap3A_78 = arith.constant 112 : index
      %swap3A_79 = tpu.vector_load %arg9[%swap3A_77, %swap3A_78] {strides = array<i32>} : memref<320x128xf32, #tpu.memory_space<vmem>>, vector<16xf32>,
      tpu.vector_store %arg9[%swap3A_77, %swap3A_78], %gather3A {strides = array<i32>} : memref<320x128xf32, #tpu.memory_space<vmem>>, vector<16xf32>,
      %scan3A_80 = arith.constant 0 : i32
      scf.yield %scan3A_80 : i32
    }
    %scan3A_50 = arith.constant 320 : i32
    "tpu.region"() ({
      %run_scoped3A = tpu.sem_alloc : memref<!tpu.dma_semaphore, #tpu.memory_space<semaphore_mem>>
      %dma_start3A = arith.constant 0 : i32
      %dma_start3A_51 = tpu.memref_slice %arg3[%add3A_36, %dma_start3A] : memref<10240x128xf32, #tpu.memory_space<hbm>> -> memref<320x128xf32, #tpu.memory_space<hbm>>
      %dma_start3A_52 = arith.constant 0 : i32
      %dma_start3A_53 = tpu.memref_slice %arg3[%add3A_36, %dma_start3A_52] : memref<10240x128xf32, #tpu.memory_space<hbm>> -> memref<320x128xf32, #tpu.memory_space<hbm>>
      tpu.enqueue_dma source(%arg9 : memref<320x128xf32, #tpu.memory_space<vmem>>) target(%dma_start3A_53 : memref<320x128xf32, #tpu.memory_space<hbm>>) target_semaphore(%run_scoped3A : memref<!tpu.dma_semaphore, #tpu.memory_space<semaphore_mem>>)
      %dma_wait3A = arith.constant 0 : i32
      %dma_wait3A_54 = tpu.memref_slice %arg3[%add3A_36, %dma_wait3A] : memref<10240x128xf32, #tpu.memory_space<hbm>> -> memref<320x128xf32, #tpu.memory_space<hbm>>
      %dma_wait3A_55 = arith.constant 0 : i32
      %dma_wait3A_56 = tpu.memref_slice %arg3[%add3A_36, %dma_wait3A_55] : memref<10240x128xf32, #tpu.memory_space<hbm>> -> memref<320x128xf32, #tpu.memory_space<hbm>>
      tpu.wait_dma2 semaphore(%run_scoped3A : memref<!tpu.dma_semaphore, #tpu.memory_space<semaphore_mem>>) src(%arg9 : memref<320x128xf32, #tpu.memory_space<vmem>>) dst(%dma_wait3A_56 : memref<320x128xf32, #tpu.memory_space<hbm>>)
      tpu.yield
    }) : () -> ()
    return
  }
}

#map = affine_map<(d0, d1) -> (0, 0)>
#map1 = affine_map<(d0, d1) -> (0, 0, 0)>
module attributes {stable_mosaic.version = 14 : i64} {
  func.func @_scatter(%arg0: i32, %arg1: i32, %arg2: memref<10240x128xf32, #tpu.memory_space<hbm>>, %arg3: memref<32x80x128xi32, #tpu.memory_space<hbm>>, %arg4: memref<32x80x128xi32, #tpu.memory_space<hbm>>, %arg5: memref<640x128xf32, #tpu.memory_space<hbm>>, %arg6: memref<2x10240x128xf32, #tpu.memory_space<hbm>>, %arg7: memref<40x128xi32, #tpu.memory_space<vmem>>, %arg8: memref<40x128xi32, #tpu.memory_space<vmem>>, %arg9: memref<128x128xf32, #tpu.memory_space<vmem>>, %arg10: memref<128x128xf32, #tpu.memory_space<vmem>>, %arg11: memref<10240x128xf32, #tpu.memory_space<vmem_shared>>, %arg12: memref<!tpu.dma_semaphore, #tpu.memory_space<semaphore_mem>>, %arg13: memref<!tpu.dma_semaphore, #tpu.memory_space<semaphore_mem>>) attributes {dimension_semantics = [#tpu.dimension_semantics<core_parallel>, #tpu.dimension_semantics<subcore_parallel>], iteration_bounds = array<i64: 2, 16>, scalar_prefetch = 0 : i64, scratch_operands = 7 : i64, tpu.core_type = #tpu.core_type<sc_vector_subcore>, window_params = [{transform_indices = #map}, {transform_indices = #map1}, {transform_indices = #map1}, {transform_indices = #map}, {transform_indices = #map1}]} {
    %mul3A = arith.constant 2 : i32
    %mul3A_0 = arith.muli %arg1, %mul3A : i32
    %add3A = arith.addi %mul3A_0, %arg0 : i32
    %mul3A_1 = arith.constant 640 : i32
    %mul3A_2 = arith.muli %arg1, %mul3A_1 : i32
    "tpu.region"() ({
      %run_scoped3A = tpu.sem_alloc : memref<!tpu.dma_semaphore, #tpu.memory_space<semaphore_mem>>
      %dma_start3A_34 = arith.constant 0 : i32
      %dma_start3A_35 = tpu.memref_slice %arg11[%mul3A_2, %dma_start3A_34] : memref<10240x128xf32, #tpu.memory_space<vmem_shared>> -> memref<640x128xf32, #tpu.memory_space<vmem_shared>>
      tpu.enqueue_dma source(%arg5 : memref<640x128xf32, #tpu.memory_space<hbm>>) target(%dma_start3A_35 : memref<640x128xf32, #tpu.memory_space<vmem_shared>>) target_semaphore(%run_scoped3A : memref<!tpu.dma_semaphore, #tpu.memory_space<semaphore_mem>>)
      %dma_wait3A = arith.constant 0 : i32
      %dma_wait3A_36 = tpu.memref_slice %arg11[%mul3A_2, %dma_wait3A] : memref<10240x128xf32, #tpu.memory_space<vmem_shared>> -> memref<640x128xf32, #tpu.memory_space<vmem_shared>>
      tpu.wait_dma2 semaphore(%run_scoped3A : memref<!tpu.dma_semaphore, #tpu.memory_space<semaphore_mem>>) src(%arg5 : memref<640x128xf32, #tpu.memory_space<hbm>>) dst(%dma_wait3A_36 : memref<640x128xf32, #tpu.memory_space<vmem_shared>>)
      tpu.yield
    }) : () -> ()
    %barrier3A = arith.constant 0 : index
    tpu.barrier barrier_id(%barrier3A)
    "tpu.region"() ({
      %run_scoped3A = tpu.sem_alloc : memref<!tpu.dma_semaphore, #tpu.memory_space<semaphore_mem>>
      %dma_start3A_34 = arith.constant 0 : i32
      %dma_start3A_35 = arith.constant 0 : i32
      %dma_start3A_36 = tpu.memref_slice %arg3[%add3A, %dma_start3A_34, %dma_start3A_35] : memref<32x80x128xi32, #tpu.memory_space<hbm>> -> memref<1x40x128xi32, #tpu.memory_space<hbm>>
      %dma_start3A_37 = tpu.memref_squeeze %dma_start3A_36 : memref<1x40x128xi32, #tpu.memory_space<hbm>> -> memref<40x128xi32, #tpu.memory_space<hbm>>
      %dma_start3A_38 = arith.constant 0 : i32
      %dma_start3A_39 = arith.constant 0 : i32
      %dma_start3A_40 = tpu.memref_slice %arg3[%add3A, %dma_start3A_38, %dma_start3A_39] : memref<32x80x128xi32, #tpu.memory_space<hbm>> -> memref<1x40x128xi32, #tpu.memory_space<hbm>>
      %dma_start3A_41 = tpu.memref_squeeze %dma_start3A_40 : memref<1x40x128xi32, #tpu.memory_space<hbm>> -> memref<40x128xi32, #tpu.memory_space<hbm>>
      tpu.enqueue_dma source(%dma_start3A_41 : memref<40x128xi32, #tpu.memory_space<hbm>>) target(%arg7 : memref<40x128xi32, #tpu.memory_space<vmem>>) target_semaphore(%run_scoped3A : memref<!tpu.dma_semaphore, #tpu.memory_space<semaphore_mem>>)
      %dma_wait3A = arith.constant 0 : i32
      %dma_wait3A_42 = arith.constant 0 : i32
      %dma_wait3A_43 = tpu.memref_slice %arg3[%add3A, %dma_wait3A, %dma_wait3A_42] : memref<32x80x128xi32, #tpu.memory_space<hbm>> -> memref<1x40x128xi32, #tpu.memory_space<hbm>>
      %dma_wait3A_44 = tpu.memref_squeeze %dma_wait3A_43 : memref<1x40x128xi32, #tpu.memory_space<hbm>> -> memref<40x128xi32, #tpu.memory_space<hbm>>
      %dma_wait3A_45 = arith.constant 0 : i32
      %dma_wait3A_46 = arith.constant 0 : i32
      %dma_wait3A_47 = tpu.memref_slice %arg3[%add3A, %dma_wait3A_45, %dma_wait3A_46] : memref<32x80x128xi32, #tpu.memory_space<hbm>> -> memref<1x40x128xi32, #tpu.memory_space<hbm>>
      %dma_wait3A_48 = tpu.memref_squeeze %dma_wait3A_47 : memref<1x40x128xi32, #tpu.memory_space<hbm>> -> memref<40x128xi32, #tpu.memory_space<hbm>>
      tpu.wait_dma2 semaphore(%run_scoped3A : memref<!tpu.dma_semaphore, #tpu.memory_space<semaphore_mem>>) src(%dma_wait3A_48 : memref<40x128xi32, #tpu.memory_space<hbm>>) dst(%arg7 : memref<40x128xi32, #tpu.memory_space<vmem>>)
      tpu.yield
    }) : () -> ()
    "tpu.region"() ({
      %run_scoped3A = tpu.sem_alloc : memref<!tpu.dma_semaphore, #tpu.memory_space<semaphore_mem>>
      %dma_start3A_34 = arith.constant 0 : i32
      %dma_start3A_35 = arith.constant 0 : i32
      %dma_start3A_36 = tpu.memref_slice %arg4[%add3A, %dma_start3A_34, %dma_start3A_35] : memref<32x80x128xi32, #tpu.memory_space<hbm>> -> memref<1x40x128xi32, #tpu.memory_space<hbm>>
      %dma_start3A_37 = tpu.memref_squeeze %dma_start3A_36 : memref<1x40x128xi32, #tpu.memory_space<hbm>> -> memref<40x128xi32, #tpu.memory_space<hbm>>
      %dma_start3A_38 = arith.constant 0 : i32
      %dma_start3A_39 = arith.constant 0 : i32
      %dma_start3A_40 = tpu.memref_slice %arg4[%add3A, %dma_start3A_38, %dma_start3A_39] : memref<32x80x128xi32, #tpu.memory_space<hbm>> -> memref<1x40x128xi32, #tpu.memory_space<hbm>>
      %dma_start3A_41 = tpu.memref_squeeze %dma_start3A_40 : memref<1x40x128xi32, #tpu.memory_space<hbm>> -> memref<40x128xi32, #tpu.memory_space<hbm>>
      tpu.enqueue_dma source(%dma_start3A_41 : memref<40x128xi32, #tpu.memory_space<hbm>>) target(%arg8 : memref<40x128xi32, #tpu.memory_space<vmem>>) target_semaphore(%run_scoped3A : memref<!tpu.dma_semaphore, #tpu.memory_space<semaphore_mem>>)
      %dma_wait3A = arith.constant 0 : i32
      %dma_wait3A_42 = arith.constant 0 : i32
      %dma_wait3A_43 = tpu.memref_slice %arg4[%add3A, %dma_wait3A, %dma_wait3A_42] : memref<32x80x128xi32, #tpu.memory_space<hbm>> -> memref<1x40x128xi32, #tpu.memory_space<hbm>>
      %dma_wait3A_44 = tpu.memref_squeeze %dma_wait3A_43 : memref<1x40x128xi32, #tpu.memory_space<hbm>> -> memref<40x128xi32, #tpu.memory_space<hbm>>
      %dma_wait3A_45 = arith.constant 0 : i32
      %dma_wait3A_46 = arith.constant 0 : i32
      %dma_wait3A_47 = tpu.memref_slice %arg4[%add3A, %dma_wait3A_45, %dma_wait3A_46] : memref<32x80x128xi32, #tpu.memory_space<hbm>> -> memref<1x40x128xi32, #tpu.memory_space<hbm>>
      %dma_wait3A_48 = tpu.memref_squeeze %dma_wait3A_47 : memref<1x40x128xi32, #tpu.memory_space<hbm>> -> memref<40x128xi32, #tpu.memory_space<hbm>>
      tpu.wait_dma2 semaphore(%run_scoped3A : memref<!tpu.dma_semaphore, #tpu.memory_space<semaphore_mem>>) src(%dma_wait3A_48 : memref<40x128xi32, #tpu.memory_space<hbm>>) dst(%arg8 : memref<40x128xi32, #tpu.memory_space<vmem>>)
      tpu.yield
    }) : () -> ()
    %dma_start3A = arith.constant 0 : i32
    %dma_start3A_3 = arith.constant 0 : i32
    %dma_start3A_4 = tpu.memref_slice %arg7[%dma_start3A, %dma_start3A_3] : memref<40x128xi32, #tpu.memory_space<vmem>> -> memref<1x128xi32, #tpu.memory_space<vmem>>
    %dma_start3A_5 = tpu.memref_squeeze %dma_start3A_4 : memref<1x128xi32, #tpu.memory_space<vmem>> -> memref<128xi32, #tpu.memory_space<vmem>>
    %dma_start3A_6 = arith.constant 0 : i32
    %dma_start3A_7 = arith.constant 0 : i32
    %dma_start3A_8 = tpu.memref_slice %arg2[%dma_start3A_6, %dma_start3A_7] : memref<10240x128xf32, #tpu.memory_space<hbm>> -> memref<10240x128xf32, #tpu.memory_space<hbm>>
    tpu.enqueue_indirect_dma source(%dma_start3A_8 : memref<10240x128xf32, #tpu.memory_space<hbm>>) target(%arg9 : memref<128x128xf32, #tpu.memory_space<vmem>>) offsets(%dma_start3A_5 : memref<128xi32, #tpu.memory_space<vmem>>) semaphore(%arg12 : memref<!tpu.dma_semaphore, #tpu.memory_space<semaphore_mem>>)
    %scan3A = arith.constant 0 : i32
    %scan3A_9 = arith.constant 0 : i32
    %scan3A_10 = arith.constant 20 : i32
    %scan3A_11 = arith.addi %scan3A_9, %scan3A_10 : i32
    %scan3A_12 = arith.constant 1 : i32
    %scan3A_13 = scf.for %scan3A_34 = %scan3A_9 to %scan3A_11 step %scan3A_12 iter_args(%scan3A_35 = %scan3A) -> (i32)  : i32 {
      %mul3A_36 = arith.constant 2 : i32
      %mul3A_37 = arith.muli %mul3A_36, %scan3A_34 : i32
      %add3A_38 = arith.constant 1 : i32
      %add3A_39 = arith.addi %mul3A_37, %add3A_38 : i32
      %dma_start3A_40 = arith.constant 0 : i32
      %dma_start3A_41 = tpu.memref_slice %arg7[%add3A_39, %dma_start3A_40] : memref<40x128xi32, #tpu.memory_space<vmem>> -> memref<1x128xi32, #tpu.memory_space<vmem>>
      %dma_start3A_42 = tpu.memref_squeeze %dma_start3A_41 : memref<1x128xi32, #tpu.memory_space<vmem>> -> memref<128xi32, #tpu.memory_space<vmem>>
      %dma_start3A_43 = arith.constant 0 : i32
      %dma_start3A_44 = arith.constant 0 : i32
      %dma_start3A_45 = tpu.memref_slice %arg2[%dma_start3A_43, %dma_start3A_44] : memref<10240x128xf32, #tpu.memory_space<hbm>> -> memref<10240x128xf32, #tpu.memory_space<hbm>>
      tpu.enqueue_indirect_dma source(%dma_start3A_45 : memref<10240x128xf32, #tpu.memory_space<hbm>>) target(%arg10 : memref<128x128xf32, #tpu.memory_space<vmem>>) offsets(%dma_start3A_42 : memref<128xi32, #tpu.memory_space<vmem>>) semaphore(%arg13 : memref<!tpu.dma_semaphore, #tpu.memory_space<semaphore_mem>>)
      %dma_wait3A = arith.constant 0 : i32
      %dma_wait3A_46 = arith.constant 0 : i32
      %dma_wait3A_47 = tpu.memref_slice %arg2[%dma_wait3A, %dma_wait3A_46] : memref<10240x128xf32, #tpu.memory_space<hbm>> -> memref<128x128xf32, #tpu.memory_space<hbm>>
      %dma_wait3A_48 = arith.constant 0 : i32
      %dma_wait3A_49 = arith.constant 0 : i32
      %dma_wait3A_50 = tpu.memref_slice %arg2[%dma_wait3A_48, %dma_wait3A_49] : memref<10240x128xf32, #tpu.memory_space<hbm>> -> memref<128x128xf32, #tpu.memory_space<hbm>>
      tpu.wait_dma2 semaphore(%arg12 : memref<!tpu.dma_semaphore, #tpu.memory_space<semaphore_mem>>) src(%dma_wait3A_50 : memref<128x128xf32, #tpu.memory_space<hbm>>) dst(%arg9 : memref<128x128xf32, #tpu.memory_space<vmem>>)
      %mul3A_51 = arith.constant 2 : i32
      %mul3A_52 = arith.muli %mul3A_51, %scan3A_34 : i32
      "tpu.region"() ({
        %run_scoped3A = tpu.sem_alloc : memref<!tpu.dma_semaphore, #tpu.memory_space<semaphore_mem>>
        %dma_start3A_66 = arith.constant 0 : i32
        %dma_start3A_67 = tpu.memref_slice %arg8[%mul3A_52, %dma_start3A_66] : memref<40x128xi32, #tpu.memory_space<vmem>> -> memref<1x128xi32, #tpu.memory_space<vmem>>
        %dma_start3A_68 = tpu.memref_squeeze %dma_start3A_67 : memref<1x128xi32, #tpu.memory_space<vmem>> -> memref<128xi32, #tpu.memory_space<vmem>>
        %dma_start3A_69 = arith.constant 0 : i32
        %dma_start3A_70 = arith.constant 0 : i32
        %dma_start3A_71 = tpu.memref_slice %arg11[%dma_start3A_69, %dma_start3A_70] : memref<10240x128xf32, #tpu.memory_space<vmem_shared>> -> memref<10240x128xf32, #tpu.memory_space<vmem_shared>>
        tpu.enqueue_indirect_dma source(%arg9 : memref<128x128xf32, #tpu.memory_space<vmem>>) target(%dma_start3A_71 : memref<10240x128xf32, #tpu.memory_space<vmem_shared>>) offsets(%dma_start3A_68 : memref<128xi32, #tpu.memory_space<vmem>>) semaphore(%run_scoped3A : memref<!tpu.dma_semaphore, #tpu.memory_space<semaphore_mem>>) {add = true}
        %dma_wait3A_72 = arith.constant 0 : i32
        %dma_wait3A_73 = tpu.memref_slice %arg8[%mul3A_52, %dma_wait3A_72] : memref<40x128xi32, #tpu.memory_space<vmem>> -> memref<1x128xi32, #tpu.memory_space<vmem>>
        %dma_wait3A_74 = tpu.memref_squeeze %dma_wait3A_73 : memref<1x128xi32, #tpu.memory_space<vmem>> -> memref<128xi32, #tpu.memory_space<vmem>>
        %dma_wait3A_75 = arith.constant 0 : i32
        %dma_wait3A_76 = arith.constant 0 : i32
        %dma_wait3A_77 = tpu.memref_slice %arg11[%dma_wait3A_75, %dma_wait3A_76] : memref<10240x128xf32, #tpu.memory_space<vmem_shared>> -> memref<10240x128xf32, #tpu.memory_space<vmem_shared>>
        tpu.wait_indirect_dma semaphore(%run_scoped3A : memref<!tpu.dma_semaphore, #tpu.memory_space<semaphore_mem>>) src(%arg9 : memref<128x128xf32, #tpu.memory_space<vmem>>) dst(%dma_wait3A_77 : memref<10240x128xf32, #tpu.memory_space<vmem_shared>>)
        tpu.yield
      }) : () -> ()
      %lt3A = arith.constant 19 : i32
      %lt3A_53 = arith.cmpi slt, %scan3A_34, %lt3A : i32
      %convert_element_type3A = arith.extui %lt3A_53 : i1 to i32
      %cond3A = arith.constant 0 : i32
      %cond3A_54 = arith.cmpi ne, %convert_element_type3A, %cond3A : i32
      scf.if %cond3A_54 {
        %mul3A_66 = arith.constant 2 : i32
        %mul3A_67 = arith.muli %mul3A_66, %scan3A_34 : i32
        %add3A_68 = arith.constant 2 : i32
        %add3A_69 = arith.addi %mul3A_67, %add3A_68 : i32
        %dma_start3A_70 = arith.constant 0 : i32
        %dma_start3A_71 = tpu.memref_slice %arg7[%add3A_69, %dma_start3A_70] : memref<40x128xi32, #tpu.memory_space<vmem>> -> memref<1x128xi32, #tpu.memory_space<vmem>>
        %dma_start3A_72 = tpu.memref_squeeze %dma_start3A_71 : memref<1x128xi32, #tpu.memory_space<vmem>> -> memref<128xi32, #tpu.memory_space<vmem>>
        %dma_start3A_73 = arith.constant 0 : i32
        %dma_start3A_74 = arith.constant 0 : i32
        %dma_start3A_75 = tpu.memref_slice %arg2[%dma_start3A_73, %dma_start3A_74] : memref<10240x128xf32, #tpu.memory_space<hbm>> -> memref<10240x128xf32, #tpu.memory_space<hbm>>
        tpu.enqueue_indirect_dma source(%dma_start3A_75 : memref<10240x128xf32, #tpu.memory_space<hbm>>) target(%arg9 : memref<128x128xf32, #tpu.memory_space<vmem>>) offsets(%dma_start3A_72 : memref<128xi32, #tpu.memory_space<vmem>>) semaphore(%arg12 : memref<!tpu.dma_semaphore, #tpu.memory_space<semaphore_mem>>)
      } else {
      }
      %dma_wait3A_55 = arith.constant 0 : i32
      %dma_wait3A_56 = arith.constant 0 : i32
      %dma_wait3A_57 = tpu.memref_slice %arg2[%dma_wait3A_55, %dma_wait3A_56] : memref<10240x128xf32, #tpu.memory_space<hbm>> -> memref<128x128xf32, #tpu.memory_space<hbm>>
      %dma_wait3A_58 = arith.constant 0 : i32
      %dma_wait3A_59 = arith.constant 0 : i32
      %dma_wait3A_60 = tpu.memref_slice %arg2[%dma_wait3A_58, %dma_wait3A_59] : memref<10240x128xf32, #tpu.memory_space<hbm>> -> memref<128x128xf32, #tpu.memory_space<hbm>>
      tpu.wait_dma2 semaphore(%arg13 : memref<!tpu.dma_semaphore, #tpu.memory_space<semaphore_mem>>) src(%dma_wait3A_60 : memref<128x128xf32, #tpu.memory_space<hbm>>) dst(%arg10 : memref<128x128xf32, #tpu.memory_space<vmem>>)
      %mul3A_61 = arith.constant 2 : i32
      %mul3A_62 = arith.muli %mul3A_61, %scan3A_34 : i32
      %add3A_63 = arith.constant 1 : i32
      %add3A_64 = arith.addi %mul3A_62, %add3A_63 : i32
      "tpu.region"() ({
        %run_scoped3A = tpu.sem_alloc : memref<!tpu.dma_semaphore, #tpu.memory_space<semaphore_mem>>
        %dma_start3A_66 = arith.constant 0 : i32
        %dma_start3A_67 = tpu.memref_slice %arg8[%add3A_64, %dma_start3A_66] : memref<40x128xi32, #tpu.memory_space<vmem>> -> memref<1x128xi32, #tpu.memory_space<vmem>>
        %dma_start3A_68 = tpu.memref_squeeze %dma_start3A_67 : memref<1x128xi32, #tpu.memory_space<vmem>> -> memref<128xi32, #tpu.memory_space<vmem>>
        %dma_start3A_69 = arith.constant 0 : i32
        %dma_start3A_70 = arith.constant 0 : i32
        %dma_start3A_71 = tpu.memref_slice %arg11[%dma_start3A_69, %dma_start3A_70] : memref<10240x128xf32, #tpu.memory_space<vmem_shared>> -> memref<10240x128xf32, #tpu.memory_space<vmem_shared>>
        tpu.enqueue_indirect_dma source(%arg10 : memref<128x128xf32, #tpu.memory_space<vmem>>) target(%dma_start3A_71 : memref<10240x128xf32, #tpu.memory_space<vmem_shared>>) offsets(%dma_start3A_68 : memref<128xi32, #tpu.memory_space<vmem>>) semaphore(%run_scoped3A : memref<!tpu.dma_semaphore, #tpu.memory_space<semaphore_mem>>) {add = true}
        %dma_wait3A_72 = arith.constant 0 : i32
        %dma_wait3A_73 = tpu.memref_slice %arg8[%add3A_64, %dma_wait3A_72] : memref<40x128xi32, #tpu.memory_space<vmem>> -> memref<1x128xi32, #tpu.memory_space<vmem>>
        %dma_wait3A_74 = tpu.memref_squeeze %dma_wait3A_73 : memref<1x128xi32, #tpu.memory_space<vmem>> -> memref<128xi32, #tpu.memory_space<vmem>>
        %dma_wait3A_75 = arith.constant 0 : i32
        %dma_wait3A_76 = arith.constant 0 : i32
        %dma_wait3A_77 = tpu.memref_slice %arg11[%dma_wait3A_75, %dma_wait3A_76] : memref<10240x128xf32, #tpu.memory_space<vmem_shared>> -> memref<10240x128xf32, #tpu.memory_space<vmem_shared>>
        tpu.wait_indirect_dma semaphore(%run_scoped3A : memref<!tpu.dma_semaphore, #tpu.memory_space<semaphore_mem>>) src(%arg10 : memref<128x128xf32, #tpu.memory_space<vmem>>) dst(%dma_wait3A_77 : memref<10240x128xf32, #tpu.memory_space<vmem_shared>>)
        tpu.yield
      }) : () -> ()
      %scan3A_65 = arith.constant 0 : i32
      scf.yield %scan3A_65 : i32
    }
    %scan3A_14 = arith.constant 20 : i32
    "tpu.region"() ({
      %run_scoped3A = tpu.sem_alloc : memref<!tpu.dma_semaphore, #tpu.memory_space<semaphore_mem>>
      %dma_start3A_34 = arith.constant 40 : i32
      %dma_start3A_35 = arith.constant 0 : i32
      %dma_start3A_36 = tpu.memref_slice %arg3[%add3A, %dma_start3A_34, %dma_start3A_35] : memref<32x80x128xi32, #tpu.memory_space<hbm>> -> memref<1x40x128xi32, #tpu.memory_space<hbm>>
      %dma_start3A_37 = tpu.memref_squeeze %dma_start3A_36 : memref<1x40x128xi32, #tpu.memory_space<hbm>> -> memref<40x128xi32, #tpu.memory_space<hbm>>
      %dma_start3A_38 = arith.constant 40 : i32
      %dma_start3A_39 = arith.constant 0 : i32
      %dma_start3A_40 = tpu.memref_slice %arg3[%add3A, %dma_start3A_38, %dma_start3A_39] : memref<32x80x128xi32, #tpu.memory_space<hbm>> -> memref<1x40x128xi32, #tpu.memory_space<hbm>>
      %dma_start3A_41 = tpu.memref_squeeze %dma_start3A_40 : memref<1x40x128xi32, #tpu.memory_space<hbm>> -> memref<40x128xi32, #tpu.memory_space<hbm>>
      tpu.enqueue_dma source(%dma_start3A_41 : memref<40x128xi32, #tpu.memory_space<hbm>>) target(%arg7 : memref<40x128xi32, #tpu.memory_space<vmem>>) target_semaphore(%run_scoped3A : memref<!tpu.dma_semaphore, #tpu.memory_space<semaphore_mem>>)
      %dma_wait3A = arith.constant 40 : i32
      %dma_wait3A_42 = arith.constant 0 : i32
      %dma_wait3A_43 = tpu.memref_slice %arg3[%add3A, %dma_wait3A, %dma_wait3A_42] : memref<32x80x128xi32, #tpu.memory_space<hbm>> -> memref<1x40x128xi32, #tpu.memory_space<hbm>>
      %dma_wait3A_44 = tpu.memref_squeeze %dma_wait3A_43 : memref<1x40x128xi32, #tpu.memory_space<hbm>> -> memref<40x128xi32, #tpu.memory_space<hbm>>
      %dma_wait3A_45 = arith.constant 40 : i32
      %dma_wait3A_46 = arith.constant 0 : i32
      %dma_wait3A_47 = tpu.memref_slice %arg3[%add3A, %dma_wait3A_45, %dma_wait3A_46] : memref<32x80x128xi32, #tpu.memory_space<hbm>> -> memref<1x40x128xi32, #tpu.memory_space<hbm>>
      %dma_wait3A_48 = tpu.memref_squeeze %dma_wait3A_47 : memref<1x40x128xi32, #tpu.memory_space<hbm>> -> memref<40x128xi32, #tpu.memory_space<hbm>>
      tpu.wait_dma2 semaphore(%run_scoped3A : memref<!tpu.dma_semaphore, #tpu.memory_space<semaphore_mem>>) src(%dma_wait3A_48 : memref<40x128xi32, #tpu.memory_space<hbm>>) dst(%arg7 : memref<40x128xi32, #tpu.memory_space<vmem>>)
      tpu.yield
    }) : () -> ()
    "tpu.region"() ({
      %run_scoped3A = tpu.sem_alloc : memref<!tpu.dma_semaphore, #tpu.memory_space<semaphore_mem>>
      %dma_start3A_34 = arith.constant 40 : i32
      %dma_start3A_35 = arith.constant 0 : i32
      %dma_start3A_36 = tpu.memref_slice %arg4[%add3A, %dma_start3A_34, %dma_start3A_35] : memref<32x80x128xi32, #tpu.memory_space<hbm>> -> memref<1x40x128xi32, #tpu.memory_space<hbm>>
      %dma_start3A_37 = tpu.memref_squeeze %dma_start3A_36 : memref<1x40x128xi32, #tpu.memory_space<hbm>> -> memref<40x128xi32, #tpu.memory_space<hbm>>
      %dma_start3A_38 = arith.constant 40 : i32
      %dma_start3A_39 = arith.constant 0 : i32
      %dma_start3A_40 = tpu.memref_slice %arg4[%add3A, %dma_start3A_38, %dma_start3A_39] : memref<32x80x128xi32, #tpu.memory_space<hbm>> -> memref<1x40x128xi32, #tpu.memory_space<hbm>>
      %dma_start3A_41 = tpu.memref_squeeze %dma_start3A_40 : memref<1x40x128xi32, #tpu.memory_space<hbm>> -> memref<40x128xi32, #tpu.memory_space<hbm>>
      tpu.enqueue_dma source(%dma_start3A_41 : memref<40x128xi32, #tpu.memory_space<hbm>>) target(%arg8 : memref<40x128xi32, #tpu.memory_space<vmem>>) target_semaphore(%run_scoped3A : memref<!tpu.dma_semaphore, #tpu.memory_space<semaphore_mem>>)
      %dma_wait3A = arith.constant 40 : i32
      %dma_wait3A_42 = arith.constant 0 : i32
      %dma_wait3A_43 = tpu.memref_slice %arg4[%add3A, %dma_wait3A, %dma_wait3A_42] : memref<32x80x128xi32, #tpu.memory_space<hbm>> -> memref<1x40x128xi32, #tpu.memory_space<hbm>>
      %dma_wait3A_44 = tpu.memref_squeeze %dma_wait3A_43 : memref<1x40x128xi32, #tpu.memory_space<hbm>> -> memref<40x128xi32, #tpu.memory_space<hbm>>
      %dma_wait3A_45 = arith.constant 40 : i32
      %dma_wait3A_46 = arith.constant 0 : i32
      %dma_wait3A_47 = tpu.memref_slice %arg4[%add3A, %dma_wait3A_45, %dma_wait3A_46] : memref<32x80x128xi32, #tpu.memory_space<hbm>> -> memref<1x40x128xi32, #tpu.memory_space<hbm>>
      %dma_wait3A_48 = tpu.memref_squeeze %dma_wait3A_47 : memref<1x40x128xi32, #tpu.memory_space<hbm>> -> memref<40x128xi32, #tpu.memory_space<hbm>>
      tpu.wait_dma2 semaphore(%run_scoped3A : memref<!tpu.dma_semaphore, #tpu.memory_space<semaphore_mem>>) src(%dma_wait3A_48 : memref<40x128xi32, #tpu.memory_space<hbm>>) dst(%arg8 : memref<40x128xi32, #tpu.memory_space<vmem>>)
      tpu.yield
    }) : () -> ()
    %dma_start3A_15 = arith.constant 0 : i32
    %dma_start3A_16 = arith.constant 0 : i32
    %dma_start3A_17 = tpu.memref_slice %arg7[%dma_start3A_15, %dma_start3A_16] : memref<40x128xi32, #tpu.memory_space<vmem>> -> memref<1x128xi32, #tpu.memory_space<vmem>>
    %dma_start3A_18 = tpu.memref_squeeze %dma_start3A_17 : memref<1x128xi32, #tpu.memory_space<vmem>> -> memref<128xi32, #tpu.memory_space<vmem>>
    %dma_start3A_19 = arith.constant 0 : i32
    %dma_start3A_20 = arith.constant 0 : i32
    %dma_start3A_21 = tpu.memref_slice %arg2[%dma_start3A_19, %dma_start3A_20] : memref<10240x128xf32, #tpu.memory_space<hbm>> -> memref<10240x128xf32, #tpu.memory_space<hbm>>
    tpu.enqueue_indirect_dma source(%dma_start3A_21 : memref<10240x128xf32, #tpu.memory_space<hbm>>) target(%arg9 : memref<128x128xf32, #tpu.memory_space<vmem>>) offsets(%dma_start3A_18 : memref<128xi32, #tpu.memory_space<vmem>>) semaphore(%arg12 : memref<!tpu.dma_semaphore, #tpu.memory_space<semaphore_mem>>)
    %scan3A_22 = arith.constant 0 : i32
    %scan3A_23 = arith.constant 0 : i32
    %scan3A_24 = arith.constant 20 : i32
    %scan3A_25 = arith.addi %scan3A_23, %scan3A_24 : i32
    %scan3A_26 = arith.constant 1 : i32
    %scan3A_27 = scf.for %scan3A_34 = %scan3A_23 to %scan3A_25 step %scan3A_26 iter_args(%scan3A_35 = %scan3A_22) -> (i32)  : i32 {
      %mul3A_36 = arith.constant 2 : i32
      %mul3A_37 = arith.muli %mul3A_36, %scan3A_34 : i32
      %add3A_38 = arith.constant 1 : i32
      %add3A_39 = arith.addi %mul3A_37, %add3A_38 : i32
      %dma_start3A_40 = arith.constant 0 : i32
      %dma_start3A_41 = tpu.memref_slice %arg7[%add3A_39, %dma_start3A_40] : memref<40x128xi32, #tpu.memory_space<vmem>> -> memref<1x128xi32, #tpu.memory_space<vmem>>
      %dma_start3A_42 = tpu.memref_squeeze %dma_start3A_41 : memref<1x128xi32, #tpu.memory_space<vmem>> -> memref<128xi32, #tpu.memory_space<vmem>>
      %dma_start3A_43 = arith.constant 0 : i32
      %dma_start3A_44 = arith.constant 0 : i32
      %dma_start3A_45 = tpu.memref_slice %arg2[%dma_start3A_43, %dma_start3A_44] : memref<10240x128xf32, #tpu.memory_space<hbm>> -> memref<10240x128xf32, #tpu.memory_space<hbm>>
      tpu.enqueue_indirect_dma source(%dma_start3A_45 : memref<10240x128xf32, #tpu.memory_space<hbm>>) target(%arg10 : memref<128x128xf32, #tpu.memory_space<vmem>>) offsets(%dma_start3A_42 : memref<128xi32, #tpu.memory_space<vmem>>) semaphore(%arg13 : memref<!tpu.dma_semaphore, #tpu.memory_space<semaphore_mem>>)
      %dma_wait3A = arith.constant 0 : i32
      %dma_wait3A_46 = arith.constant 0 : i32
      %dma_wait3A_47 = tpu.memref_slice %arg2[%dma_wait3A, %dma_wait3A_46] : memref<10240x128xf32, #tpu.memory_space<hbm>> -> memref<128x128xf32, #tpu.memory_space<hbm>>
      %dma_wait3A_48 = arith.constant 0 : i32
      %dma_wait3A_49 = arith.constant 0 : i32
      %dma_wait3A_50 = tpu.memref_slice %arg2[%dma_wait3A_48, %dma_wait3A_49] : memref<10240x128xf32, #tpu.memory_space<hbm>> -> memref<128x128xf32, #tpu.memory_space<hbm>>
      tpu.wait_dma2 semaphore(%arg12 : memref<!tpu.dma_semaphore, #tpu.memory_space<semaphore_mem>>) src(%dma_wait3A_50 : memref<128x128xf32, #tpu.memory_space<hbm>>) dst(%arg9 : memref<128x128xf32, #tpu.memory_space<vmem>>)
      %mul3A_51 = arith.constant 2 : i32
      %mul3A_52 = arith.muli %mul3A_51, %scan3A_34 : i32
      "tpu.region"() ({
        %run_scoped3A = tpu.sem_alloc : memref<!tpu.dma_semaphore, #tpu.memory_space<semaphore_mem>>
        %dma_start3A_66 = arith.constant 0 : i32
        %dma_start3A_67 = tpu.memref_slice %arg8[%mul3A_52, %dma_start3A_66] : memref<40x128xi32, #tpu.memory_space<vmem>> -> memref<1x128xi32, #tpu.memory_space<vmem>>
        %dma_start3A_68 = tpu.memref_squeeze %dma_start3A_67 : memref<1x128xi32, #tpu.memory_space<vmem>> -> memref<128xi32, #tpu.memory_space<vmem>>
        %dma_start3A_69 = arith.constant 0 : i32
        %dma_start3A_70 = arith.constant 0 : i32
        %dma_start3A_71 = tpu.memref_slice %arg11[%dma_start3A_69, %dma_start3A_70] : memref<10240x128xf32, #tpu.memory_space<vmem_shared>> -> memref<10240x128xf32, #tpu.memory_space<vmem_shared>>
        tpu.enqueue_indirect_dma source(%arg9 : memref<128x128xf32, #tpu.memory_space<vmem>>) target(%dma_start3A_71 : memref<10240x128xf32, #tpu.memory_space<vmem_shared>>) offsets(%dma_start3A_68 : memref<128xi32, #tpu.memory_space<vmem>>) semaphore(%run_scoped3A : memref<!tpu.dma_semaphore, #tpu.memory_space<semaphore_mem>>) {add = true}
        %dma_wait3A_72 = arith.constant 0 : i32
        %dma_wait3A_73 = tpu.memref_slice %arg8[%mul3A_52, %dma_wait3A_72] : memref<40x128xi32, #tpu.memory_space<vmem>> -> memref<1x128xi32, #tpu.memory_space<vmem>>
        %dma_wait3A_74 = tpu.memref_squeeze %dma_wait3A_73 : memref<1x128xi32, #tpu.memory_space<vmem>> -> memref<128xi32, #tpu.memory_space<vmem>>
        %dma_wait3A_75 = arith.constant 0 : i32
        %dma_wait3A_76 = arith.constant 0 : i32
        %dma_wait3A_77 = tpu.memref_slice %arg11[%dma_wait3A_75, %dma_wait3A_76] : memref<10240x128xf32, #tpu.memory_space<vmem_shared>> -> memref<10240x128xf32, #tpu.memory_space<vmem_shared>>
        tpu.wait_indirect_dma semaphore(%run_scoped3A : memref<!tpu.dma_semaphore, #tpu.memory_space<semaphore_mem>>) src(%arg9 : memref<128x128xf32, #tpu.memory_space<vmem>>) dst(%dma_wait3A_77 : memref<10240x128xf32, #tpu.memory_space<vmem_shared>>)
        tpu.yield
      }) : () -> ()
      %lt3A = arith.constant 19 : i32
      %lt3A_53 = arith.cmpi slt, %scan3A_34, %lt3A : i32
      %convert_element_type3A = arith.extui %lt3A_53 : i1 to i32
      %cond3A = arith.constant 0 : i32
      %cond3A_54 = arith.cmpi ne, %convert_element_type3A, %cond3A : i32
      scf.if %cond3A_54 {
        %mul3A_66 = arith.constant 2 : i32
        %mul3A_67 = arith.muli %mul3A_66, %scan3A_34 : i32
        %add3A_68 = arith.constant 2 : i32
        %add3A_69 = arith.addi %mul3A_67, %add3A_68 : i32
        %dma_start3A_70 = arith.constant 0 : i32
        %dma_start3A_71 = tpu.memref_slice %arg7[%add3A_69, %dma_start3A_70] : memref<40x128xi32, #tpu.memory_space<vmem>> -> memref<1x128xi32, #tpu.memory_space<vmem>>
        %dma_start3A_72 = tpu.memref_squeeze %dma_start3A_71 : memref<1x128xi32, #tpu.memory_space<vmem>> -> memref<128xi32, #tpu.memory_space<vmem>>
        %dma_start3A_73 = arith.constant 0 : i32
        %dma_start3A_74 = arith.constant 0 : i32
        %dma_start3A_75 = tpu.memref_slice %arg2[%dma_start3A_73, %dma_start3A_74] : memref<10240x128xf32, #tpu.memory_space<hbm>> -> memref<10240x128xf32, #tpu.memory_space<hbm>>
        tpu.enqueue_indirect_dma source(%dma_start3A_75 : memref<10240x128xf32, #tpu.memory_space<hbm>>) target(%arg9 : memref<128x128xf32, #tpu.memory_space<vmem>>) offsets(%dma_start3A_72 : memref<128xi32, #tpu.memory_space<vmem>>) semaphore(%arg12 : memref<!tpu.dma_semaphore, #tpu.memory_space<semaphore_mem>>)
      } else {
      }
      %dma_wait3A_55 = arith.constant 0 : i32
      %dma_wait3A_56 = arith.constant 0 : i32
      %dma_wait3A_57 = tpu.memref_slice %arg2[%dma_wait3A_55, %dma_wait3A_56] : memref<10240x128xf32, #tpu.memory_space<hbm>> -> memref<128x128xf32, #tpu.memory_space<hbm>>
      %dma_wait3A_58 = arith.constant 0 : i32
      %dma_wait3A_59 = arith.constant 0 : i32
      %dma_wait3A_60 = tpu.memref_slice %arg2[%dma_wait3A_58, %dma_wait3A_59] : memref<10240x128xf32, #tpu.memory_space<hbm>> -> memref<128x128xf32, #tpu.memory_space<hbm>>
      tpu.wait_dma2 semaphore(%arg13 : memref<!tpu.dma_semaphore, #tpu.memory_space<semaphore_mem>>) src(%dma_wait3A_60 : memref<128x128xf32, #tpu.memory_space<hbm>>) dst(%arg10 : memref<128x128xf32, #tpu.memory_space<vmem>>)
      %mul3A_61 = arith.constant 2 : i32
      %mul3A_62 = arith.muli %mul3A_61, %scan3A_34 : i32
      %add3A_63 = arith.constant 1 : i32
      %add3A_64 = arith.addi %mul3A_62, %add3A_63 : i32
      "tpu.region"() ({
        %run_scoped3A = tpu.sem_alloc : memref<!tpu.dma_semaphore, #tpu.memory_space<semaphore_mem>>
        %dma_start3A_66 = arith.constant 0 : i32
        %dma_start3A_67 = tpu.memref_slice %arg8[%add3A_64, %dma_start3A_66] : memref<40x128xi32, #tpu.memory_space<vmem>> -> memref<1x128xi32, #tpu.memory_space<vmem>>
        %dma_start3A_68 = tpu.memref_squeeze %dma_start3A_67 : memref<1x128xi32, #tpu.memory_space<vmem>> -> memref<128xi32, #tpu.memory_space<vmem>>
        %dma_start3A_69 = arith.constant 0 : i32
        %dma_start3A_70 = arith.constant 0 : i32
        %dma_start3A_71 = tpu.memref_slice %arg11[%dma_start3A_69, %dma_start3A_70] : memref<10240x128xf32, #tpu.memory_space<vmem_shared>> -> memref<10240x128xf32, #tpu.memory_space<vmem_shared>>
        tpu.enqueue_indirect_dma source(%arg10 : memref<128x128xf32, #tpu.memory_space<vmem>>) target(%dma_start3A_71 : memref<10240x128xf32, #tpu.memory_space<vmem_shared>>) offsets(%dma_start3A_68 : memref<128xi32, #tpu.memory_space<vmem>>) semaphore(%run_scoped3A : memref<!tpu.dma_semaphore, #tpu.memory_space<semaphore_mem>>) {add = true}
        %dma_wait3A_72 = arith.constant 0 : i32
        %dma_wait3A_73 = tpu.memref_slice %arg8[%add3A_64, %dma_wait3A_72] : memref<40x128xi32, #tpu.memory_space<vmem>> -> memref<1x128xi32, #tpu.memory_space<vmem>>
        %dma_wait3A_74 = tpu.memref_squeeze %dma_wait3A_73 : memref<1x128xi32, #tpu.memory_space<vmem>> -> memref<128xi32, #tpu.memory_space<vmem>>
        %dma_wait3A_75 = arith.constant 0 : i32
        %dma_wait3A_76 = arith.constant 0 : i32
        %dma_wait3A_77 = tpu.memref_slice %arg11[%dma_wait3A_75, %dma_wait3A_76] : memref<10240x128xf32, #tpu.memory_space<vmem_shared>> -> memref<10240x128xf32, #tpu.memory_space<vmem_shared>>
        tpu.wait_indirect_dma semaphore(%run_scoped3A : memref<!tpu.dma_semaphore, #tpu.memory_space<semaphore_mem>>) src(%arg10 : memref<128x128xf32, #tpu.memory_space<vmem>>) dst(%dma_wait3A_77 : memref<10240x128xf32, #tpu.memory_space<vmem_shared>>)
        tpu.yield
      }) : () -> ()
      %scan3A_65 = arith.constant 0 : i32
      scf.yield %scan3A_65 : i32
    }
    %scan3A_28 = arith.constant 20 : i32
    %barrier3A_29 = arith.constant 0 : index
    tpu.barrier barrier_id(%barrier3A_29)
    %mul3A_30 = arith.constant 640 : i32
    %mul3A_31 = arith.muli %arg1, %mul3A_30 : i32
    %mul3A_32 = arith.constant 640 : i32
    %mul3A_33 = arith.muli %arg1, %mul3A_32 : i32
    "tpu.region"() ({
      %run_scoped3A = tpu.sem_alloc : memref<!tpu.dma_semaphore, #tpu.memory_space<semaphore_mem>>
      %dma_start3A_34 = arith.constant 0 : i32
      %dma_start3A_35 = tpu.memref_slice %arg6[%arg0, %mul3A_33, %dma_start3A_34] : memref<2x10240x128xf32, #tpu.memory_space<hbm>> -> memref<1x640x128xf32, #tpu.memory_space<hbm>>
      %dma_start3A_36 = tpu.memref_squeeze %dma_start3A_35 : memref<1x640x128xf32, #tpu.memory_space<hbm>> -> memref<640x128xf32, #tpu.memory_space<hbm>>
      %dma_start3A_37 = arith.constant 0 : i32
      %dma_start3A_38 = tpu.memref_slice %arg11[%mul3A_31, %dma_start3A_37] : memref<10240x128xf32, #tpu.memory_space<vmem_shared>> -> memref<640x128xf32, #tpu.memory_space<vmem_shared>>
      tpu.enqueue_dma source(%dma_start3A_38 : memref<640x128xf32, #tpu.memory_space<vmem_shared>>) target(%dma_start3A_36 : memref<640x128xf32, #tpu.memory_space<hbm>>) target_semaphore(%run_scoped3A : memref<!tpu.dma_semaphore, #tpu.memory_space<semaphore_mem>>)
      %dma_wait3A = arith.constant 0 : i32
      %dma_wait3A_39 = tpu.memref_slice %arg6[%arg0, %mul3A_33, %dma_wait3A] : memref<2x10240x128xf32, #tpu.memory_space<hbm>> -> memref<1x640x128xf32, #tpu.memory_space<hbm>>
      %dma_wait3A_40 = tpu.memref_squeeze %dma_wait3A_39 : memref<1x640x128xf32, #tpu.memory_space<hbm>> -> memref<640x128xf32, #tpu.memory_space<hbm>>
      %dma_wait3A_41 = arith.constant 0 : i32
      %dma_wait3A_42 = tpu.memref_slice %arg11[%mul3A_31, %dma_wait3A_41] : memref<10240x128xf32, #tpu.memory_space<vmem_shared>> -> memref<640x128xf32, #tpu.memory_space<vmem_shared>>
      tpu.wait_dma2 semaphore(%run_scoped3A : memref<!tpu.dma_semaphore, #tpu.memory_space<semaphore_mem>>) src(%dma_wait3A_42 : memref<640x128xf32, #tpu.memory_space<vmem_shared>>) dst(%dma_wait3A_40 : memref<640x128xf32, #tpu.memory_space<hbm>>)
      tpu.yield
    }) : () -> ()
    return
  }
}

module attributes {stable_mosaic.version = 14 : i64} {
  func.func @_mm_body(%arg0: i32, %arg1: memref<1000x128xf32, #tpu.memory_space<vmem>>, %arg2: memref<128x128xf32, #tpu.memory_space<vmem>>, %arg3: memref<1000x128xf32, #tpu.memory_space<vmem>>, %arg4: memref<1000x128xf32, #tpu.memory_space<vmem>>) attributes {dimension_semantics = [#tpu.dimension_semantics<arbitrary>], iteration_bounds = array<i64: 10>, scalar_prefetch = 0 : i64, scratch_operands = 0 : i64, tpu.core_type = #tpu.core_type<tc>, window_params = [{transform_indices = @transform_0, window_bounds = array<i64: 1000, 128>}, {pipeline_mode = #tpu.pipeline_mode<synchronous>, transform_indices = @transform_1, window_bounds = array<i64: 128, 128>}, {transform_indices = @transform_2, window_bounds = array<i64: 1000, 128>}, {transform_indices = @transform_3, window_bounds = array<i64: 1000, 128>}]} {
    %get3A = arith.constant 0 : index
    %get3A_0 = arith.constant 0 : index
    %get3A_1 = vector.load %arg1[%get3A, %get3A_0] : memref<1000x128xf32, #tpu.memory_space<vmem>>, vector<1000x128xf32>
    %get3A_2 = arith.constant 0 : index
    %get3A_3 = arith.constant 0 : index
    %get3A_4 = vector.load %arg2[%get3A_2, %get3A_3] : memref<128x128xf32, #tpu.memory_space<vmem>>, vector<128x128xf32>
    %dot_general3A = arith.constant dense<0.000000e+00> : vector<1000x128xf32>
    %dot_general3A_5 = tpu.matmul %get3A_1, %get3A_4, %dot_general3A {dimension_numbers = #tpu.dot_dimension_numbers<[1], [0], [0], [1], [0, 0, 1, 1], [], []>, transpose_lhs_hint = false} : vector<1000x128xf32>, vector<128x128xf32>, vector<1000x128xf32> -> vector<1000x128xf32>
    %get3A_6 = arith.constant 0 : index
    %get3A_7 = arith.constant 0 : index
    %get3A_8 = vector.load %arg3[%get3A_6, %get3A_7] : memref<1000x128xf32, #tpu.memory_space<vmem>>, vector<1000x128xf32>
    %mul3A = arith.mulf %dot_general3A_5, %get3A_8 : vector<1000x128xf32>
    %swap3A = arith.constant 0 : index
    %swap3A_9 = arith.constant 0 : index
    %swap3A_10 = vector.load %arg4[%swap3A, %swap3A_9] : memref<1000x128xf32, #tpu.memory_space<vmem>>, vector<1000x128xf32>
    tpu.vector_store %arg4[%swap3A, %swap3A_9], %mul3A {strides = array<i32>} : memref<1000x128xf32, #tpu.memory_space<vmem>>, vector<1000x128xf32>,
    return
  }
  func.func @transform_0(%arg0: i32) -> (i32, i32) {
    %c0_i32 = arith.constant 0 : i32
    %c0_i32_0 = arith.constant 0 : i32
    return %arg0, %c0_i32 : i32, i32
  }
  func.func @transform_1(%arg0: i32) -> (i32, i32) {
    %c0_i32 = arith.constant 0 : i32
    %c0_i32_0 = arith.constant 0 : i32
    %c0_i32_1 = arith.constant 0 : i32
    return %c0_i32, %c0_i32_0 : i32, i32
  }
  func.func @transform_2(%arg0: i32) -> (i32, i32) {
    %c0_i32 = arith.constant 0 : i32
    %c0_i32_0 = arith.constant 0 : i32
    return %arg0, %c0_i32 : i32, i32
  }
  func.func @transform_3(%arg0: i32) -> (i32, i32) {
    %c0_i32 = arith.constant 0 : i32
    %c0_i32_0 = arith.constant 0 : i32
    return %arg0, %c0_i32 : i32, i32
  }
}

module attributes {stable_mosaic.version = 14 : i64} {
  func.func @_fin_body(%arg0: i32, %arg1: memref<2x1000x128xf32, #tpu.memory_space<vmem>>, %arg2: memref<1000x128xf32, #tpu.memory_space<vmem>>, %arg3: memref<1000x128xf32, #tpu.memory_space<vmem>>, %arg4: memref<8x128xf32, #tpu.memory_space<vmem>>, %arg5: memref<1000x128xf32, #tpu.memory_space<vmem>>) attributes {dimension_semantics = [#tpu.dimension_semantics<arbitrary>], iteration_bounds = array<i64: 10>, scalar_prefetch = 0 : i64, scratch_operands = 0 : i64, tpu.core_type = #tpu.core_type<tc>, window_params = [{transform_indices = @transform_0, window_bounds = array<i64: 2, 1000, 128>}, {transform_indices = @transform_1, window_bounds = array<i64: 1000, 128>}, {transform_indices = @transform_2, window_bounds = array<i64: 1000, 128>}, {pipeline_mode = #tpu.pipeline_mode<synchronous>, transform_indices = @transform_3, window_bounds = array<i64: 8, 128>}, {transform_indices = @transform_4, window_bounds = array<i64: 1000, 128>}]} {
    %get3A = arith.constant 0 : index
    %get3A_0 = arith.constant 0 : index
    %get3A_1 = arith.constant 0 : index
    %get3A_2 = vector.load %arg1[%get3A, %get3A_0, %get3A_1] : memref<2x1000x128xf32, #tpu.memory_space<vmem>>, vector<1x1000x128xf32>
    %get3A_3 = vector.shape_cast %get3A_2 : vector<1x1000x128xf32> to vector<1000x128xf32>
    %get3A_4 = arith.constant 1 : index
    %get3A_5 = arith.constant 0 : index
    %get3A_6 = arith.constant 0 : index
    %get3A_7 = vector.load %arg1[%get3A_4, %get3A_5, %get3A_6] : memref<2x1000x128xf32, #tpu.memory_space<vmem>>, vector<1x1000x128xf32>
    %get3A_8 = vector.shape_cast %get3A_7 : vector<1x1000x128xf32> to vector<1000x128xf32>
    %add3A = arith.addf %get3A_3, %get3A_8 : vector<1000x128xf32>
    %get3A_9 = arith.constant 0 : index
    %get3A_10 = arith.constant 0 : index
    %get3A_11 = vector.load %arg2[%get3A_9, %get3A_10] : memref<1000x128xf32, #tpu.memory_space<vmem>>, vector<1000x128xf32>
    %add3A_12 = arith.addf %add3A, %get3A_11 : vector<1000x128xf32>
    %get3A_13 = arith.constant 0 : index
    %get3A_14 = arith.constant 0 : index
    %get3A_15 = vector.load %arg3[%get3A_13, %get3A_14] : memref<1000x128xf32, #tpu.memory_space<vmem>>, vector<1000x128xf32>
    %mul3A = arith.mulf %add3A_12, %get3A_15 : vector<1000x128xf32>
    %get3A_16 = arith.constant 0 : index
    %get3A_17 = arith.constant 0 : index
    %get3A_18 = vector.load %arg4[%get3A_16, %get3A_17] : memref<8x128xf32, #tpu.memory_space<vmem>>, vector<1x128xf32>
    %add3A_19 = vector.broadcast %get3A_18 : vector<1x128xf32> to vector<1000x128xf32>
    %add3A_20 = arith.addf %mul3A, %add3A_19 : vector<1000x128xf32>
    %max3A = arith.constant 0.000000e+00 : f32
    %max3A_21 = vector.broadcast %max3A : f32 to vector<1000x128xf32>
    %max3A_22 = arith.maximumf %add3A_20, %max3A_21 : vector<1000x128xf32>
    %swap3A = arith.constant 0 : index
    %swap3A_23 = arith.constant 0 : index
    %swap3A_24 = vector.load %arg5[%swap3A, %swap3A_23] : memref<1000x128xf32, #tpu.memory_space<vmem>>, vector<1000x128xf32>
    tpu.vector_store %arg5[%swap3A, %swap3A_23], %max3A_22 {strides = array<i32>} : memref<1000x128xf32, #tpu.memory_space<vmem>>, vector<1000x128xf32>,
    return
  }
  func.func @transform_0(%arg0: i32) -> (i32, i32, i32) {
    %c0_i32 = arith.constant 0 : i32
    %c0_i32_0 = arith.constant 0 : i32
    %c0_i32_1 = arith.constant 0 : i32
    return %c0_i32, %arg0, %c0_i32_0 : i32, i32, i32
  }
  func.func @transform_1(%arg0: i32) -> (i32, i32) {
    %c0_i32 = arith.constant 0 : i32
    %c0_i32_0 = arith.constant 0 : i32
    return %arg0, %c0_i32 : i32, i32
  }
  func.func @transform_2(%arg0: i32) -> (i32, i32) {
    %c0_i32 = arith.constant 0 : i32
    %c0_i32_0 = arith.constant 0 : i32
    return %arg0, %c0_i32 : i32, i32
  }
  func.func @transform_3(%arg0: i32) -> (i32, i32) {
    %c0_i32 = arith.constant 0 : i32
    %c0_i32_0 = arith.constant 0 : i32
    %c0_i32_1 = arith.constant 0 : i32
    return %c0_i32, %c0_i32_0 : i32, i32
  }
  func.func @transform_4(%arg0: i32) -> (i32, i32) {
    %c0_i32 = arith.constant 0 : i32
    %c0_i32_0 = arith.constant 0 : i32
    return %arg0, %c0_i32 : i32, i32
  }
}

</mosaic_0001>

<sc_bundles>
// kernel: kernel.6.cloned.1.call-start
scs
__scs_entry_jumppad:
0x0: {  	(pc) =	sbr.rel $0x88, $3  }
0x1: {  	(tag) =	ssettag $0x0;
	lr =	simm.s32 $0x1  }
0x2: {  	[smem:$0x3F9D] =	sst lr;
	_ =	strace $0xD0000000  }
0x3: {  	_ = 	snop  }
0x4: {  	_ = 	snop  }
0x5: {  	_ = 	snop  }
0x6: {  	_ = 	snop  }
0x7: {  	_ = 	snop  }
__scs_overlays_trampoline_lowered:
0x8: {  	[smem:$0x3FAC] =	sst s0  }
0x9: {  	[smem:$0x3FAD] =	sst s1  }
0xa: {  	[smem:$0x3FAE] =	sst s2  }
0xb: {  	[smem:$0x3FAF] =	sst s3  }
0xc: {  	[smem:$0x3FB0] =	sst s4  }
0xd: {  	[smem:$0x3FB1] =	sst s5  }
0xe: {  	[smem:$0x3FB2] =	sst s6  }
0xf: {  	[smem:$0x3FB3] =	sst s7  }
0x10: {  	[smem:$0x3FB4] =	sst s8  }
0x11: {  	[smem:$0x3FB5] =	sst s9;
	s0 =	simm.s32 @!p0 $0x0  }
0x12: {  	s1 =	sld [smem:$0x3F9B];
	s0 =	simm.s32 @p0 $0x1  }
0x13: {  	[smem:$0x3FB6] =	sst s0;
	s0 =	simm.s32 @!p1 $0x0  }
0x14: {  	s2 =	sld [smem:$0x3F9A];
	s0 =	simm.s32 @p1 $0x1  }
0x15: {  	[smem:$0x3FB7] =	sst s0;
	s0 =	simm.s32 @!p2 $0x0  }
0x16: {  	s3 =	sld [smem:$0x3FDB];
	s0 =	simm.s32 @p2 $0x1  }
0x17: {  	s4 =	simm.s32 $0x1BF5;
	[smem:$0x3FB9] =	sst s0  }
0x18: {  	s0 =	sld [smem:$0x3F9C];
	_ =	swait.ge [sflag:s4], $0x0  }
0x19: {  	s7 =	sld [smem:$0x3F9D]  }
0x1a: {  	s8 =	sadd.s32 $0xFFFFE003, lr  }
0x1b: {  	s9 =	sadd.s32 $0xFFFFFEF7, lr;
	s5 =	simm.s32 $0xFFFFFFFF;
	p2 =	slt.u32 s8, $0xFFFFF086  }
0x1c: {  	p1 =	slt.u32 s9, $0xF7A;
	s5 =	simm.s32 @!p2 $0x0  }
0x1d: {  	s5 =	simm.s32 @p1 $0x1;
	p0 =	seq.s32 s7, s2  }
0x1e: {  	s7 =	smul.u32 @!p0 $0xF7A, s2;
	p2 =	seq.s32 @!p0 s5, $0x0  }
0x1f: {  	s9 =	smul.u32 $0xF7A, s1;
	s8 =	simm.s32 @!p0 $0x1BF5;
	p2 =	por !p2, p0  }
0x20: {  	[sflag:s8] =	ssyncset.s32 @!p0 $0xFFFFF086;
	s6 =	sadd.s32 @!p0 s3, s7;
	s7 =	simm.s32 @!p0 $0x108  }
0x21: {  	s3 =	sadd.s32 s3, s9;
	s6 =	sadd.s32 @!p0 $0x88, s6;
	s7 =	simm.s32 @p2 $0x1082  }
0x22: {  	[simem:s7], [sflag:s8] =	dma.local @!p0 [hbm:s6], $0xF7A  }
0x23: {  	s9 =	sor.u32 $0xD0000000, s2;
	s6 =	simm.s32 $0x108;
	_ =	swait.ge @!p0 [sflag:s8], $0x0  }
0x24: {  	s3 =	sadd.s32 $0x88, s3;
	s6 =	simm.s32 @!p1 $0x1082;
	[sflag:s4] =	ssyncset.s32 $0xFFFFF086  }
0x25: {  	[simem:s6], [sflag:s4] =	dma.local [hbm:s3], $0xF7A  }
0x26: {  	[smem:$0x3F9D] =	sst s1;
	(tag) =	ssettag s2;
	_ =	strace s9  }
0x27: {  	s1 =	sld [smem:$0x3FAD]  }
0x28: {  	s2 =	sld [smem:$0x3FAE]  }
0x29: {  	s4 =	sld [smem:$0x3FB0]  }
0x2a: {  	p0 =	seq.s32 s5, $0x0;
	s5 =	sld [smem:$0x3FB1]  }
0x2b: {  	s6 =	sld [smem:$0x3FB2]  }
0x2c: {  	s7 =	sld [smem:$0x3FB3]  }
0x2d: {  	s3 =	simm.s32 $0x108;
	s8 =	sld [smem:$0x3FB4]  }
0x2e: {  	s3 =	simm.s32 @!p0 $0x1082;
	s9 =	sld [smem:$0x3FB5]  }
0x2f: {  	lr =	sadd.s32 s0, s3;
	s0 =	sld [smem:$0x3FAC]  }
0x30: {  	s3 =	sld [smem:$0x3FAF]  }
0x31: {  	[smem:$0x3FB8] =	sst s10  }
0x32: {  	s10 =	sld [smem:$0x3FB6];
	_ =	sdelay $0x3  }
0x33: {  	p0 =	seq.s32 s10, $0x1;
	s10 =	sld [smem:$0x3FB8];
	_ =	sdelay $0x3  }
0x34: {  	[smem:$0x3FB8] =	sst s10  }
0x35: {  	s10 =	sld [smem:$0x3FB7];
	_ =	sdelay $0x3  }
0x36: {  	p1 =	seq.s32 s10, $0x1;
	s10 =	sld [smem:$0x3FB8];
	_ =	sdelay $0x3  }
0x37: {  	[smem:$0x3FB8] =	sst s10  }
0x38: {  	s10 =	sld [smem:$0x3FB9]  }
0x39: {  	_ = 	snop;
	(pc) =	sbr.ind lr, $3  }
0x3a: {  	_ = 	snop  }
0x3b: {  	_ = 	snop  }
0x3c: {  	p2 =	seq.s32 s10, $0x1;
	s10 =	sld [smem:$0x3FB8]  }
0x3d: {  	_ =	shalt  }
0x3e: {  	_ =	shalt  }
0x3f: {  	_ =	shalt  }
0x40: {  	_ =	shalt  }
0x41: {  	_ =	shalt  }
0x42: {  	_ =	shalt  }
0x43: {  	_ =	shalt  }
0x44: {  	_ =	shalt  }
0x45: {  	_ =	shalt  }
0x46: {  	_ =	shalt  }
0x47: {  	_ =	shalt  }
0x48: {  	_ =	shalt  }
0x49: {  	_ =	shalt  }
0x4a: {  	_ =	shalt  }
0x4b: {  	_ =	shalt  }
0x4c: {  	_ =	shalt  }
0x4d: {  	_ =	shalt  }
0x4e: {  	_ =	shalt  }
0x4f: {  	_ =	shalt  }
0x50: {  	_ =	shalt  }
0x51: {  	_ =	shalt  }
0x52: {  	_ =	shalt  }
0x53: {  	_ =	shalt  }
0x54: {  	_ =	shalt  }
0x55: {  	_ =	shalt  }
0x56: {  	_ =	shalt  }
0x57: {  	_ =	shalt  }
0x58: {  	_ =	shalt  }
0x59: {  	_ =	shalt  }
0x5a: {  	_ =	shalt  }
0x5b: {  	_ =	shalt  }
0x5c: {  	_ =	shalt  }
0x5d: {  	_ =	shalt  }
0x5e: {  	_ =	shalt  }
0x5f: {  	_ =	shalt  }
0x60: {  	_ =	shalt  }
0x61: {  	_ =	shalt  }
0x62: {  	_ =	shalt  }
0x63: {  	_ =	shalt  }
0x64: {  	_ =	shalt  }
0x65: {  	_ =	shalt  }
0x66: {  	_ =	shalt  }
0x67: {  	_ =	shalt  }
0x68: {  	_ =	shalt  }
0x69: {  	_ =	shalt  }
0x6a: {  	_ =	shalt  }
0x6b: {  	_ =	shalt  }
0x6c: {  	_ =	shalt  }
0x6d: {  	_ =	shalt  }
0x6e: {  	_ =	shalt  }
0x6f: {  	_ =	shalt  }
0x70: {  	_ =	shalt  }
0x71: {  	_ =	shalt  }
0x72: {  	_ =	shalt  }
0x73: {  	_ =	shalt  }
0x74: {  	_ =	shalt  }
0x75: {  	_ =	shalt  }
0x76: {  	_ =	shalt  }
0x77: {  	_ =	shalt  }
0x78: {  	_ =	shalt  }
0x79: {  	_ =	shalt  }
0x7a: {  	_ =	shalt  }
0x7b: {  	_ =	shalt  }
0x7c: {  	_ =	shalt  }
0x7d: {  	_ =	shalt  }
0x7e: {  	_ =	shalt  }
0x7f: {  	_ =	shalt  }
0x80: {  	_ =	shalt  }
0x81: {  	_ =	shalt  }
0x82: {  	_ =	shalt  }
0x83: {  	_ =	shalt  }
0x84: {  	_ =	shalt  }
0x85: {  	_ =	shalt  }
0x86: {  	_ =	shalt  }
0x87: {  	_ =	shalt  }
.Lfunc_end0:
.L_simem_size_0:
called_computation_lowered:
.L_overlay_start_0:
0x88: {  	s2 =	sld [smem:$0x3FD9]  }
0x89: {  	s3 =	sld [smem:$0x3FFE];
	_ =	sdelay $0x1  }
0x8a: {  	s1 =	srdreg.scid  }
0x8b: {  	s0 =	sand.u32 $0x1, s1  }
0x8c: {  	s16 =	sshll.u32 s0, $0xA;
	s2 =	sadd.s32 s3, s2  }
0x8d: {  	s2 =	sadd.s32 s2, s16  }
0x8e: {  	[smem:$0x3FC4] =	sst s2  }
0x8f: {  	_ = 	snop  }
0x90: {  	(tm) =	ssettm $0x1  }
0x91: {  	s17 =	sld [smem:$0x3FFB];
	_ =	sdelay $0x3  }
0x92: {  	_ =	strace s17  }
0x93: {  	s2 =	sld [smem:$0x3FFC];
	_ =	sdelay $0x3  }
0x94: {  	_ =	strace s2  }
0x95: {  	s2 =	sld [smem:$0x3FFD];
	_ =	sdelay $0x3  }
0x96: {  	_ =	strace s2  }
0x97: {  	_ =	strace $0x8FFFFFFF  }
0x98: {  	s18 =	sld [smem:$0x3FDB];
	_ =	sdelay $0x1  }
0x99: {  	s19 =	simm.s32 $_scs_section_size  }
0x9a: {  	s4 =	simm.s32 $_size__tile_overlayer_lowered;
	s5 =	simm.s32 $_tile_overlayer_lowered  }
0x9b: {  	s22 =	simm.s32 $0x1BFF;
	s21 =	sshll.u32 s5, $0x1;
	s2 =	sadd.s32 s19, s18  }
0x9c: {  	s6 =	simm.s32 $0x0;
	s20 =	sshll.u32 s4, $0x1;
	s4 =	sadd.s32 s21, s2  }
0x9d: {  	[timem:s6], [sflag:s22] =	dma.local [hbm:s4], s20  }
0x9e: {  	_ =	swait.ge [sflag:s22], s20  }
0x9f: {  	s3 =	ssub.s32 $0x0, s20;
	[sflag:s22] =	ssyncset.done $0x0  }
0xa0: {  	[sflag:s22] =	ssyncadd.s32 s3;
	_ =	sdelay $0x1  }
0xa1: {  	s23 =	simm.s32 $0x1B8B  }
0xa2: {  	_ =	swait.ge [sflag:s23], $0x1  }
0xa3: {  	[sflag:s23] =	ssyncset.done $0x0  }
0xa4: {  	s25 =	simm.s32 $0x1B8E;
	s24 =	sld [smem:$0x3FFE];
	[sflag:s23] =	ssyncadd.s32 $0xFFFFFFFF  }
0xa5: {  	s26 =	simm.s32 $execute0_lowered;
	[smem:$0x3FD2] =	sst s25  }
0xa6: {  	s4 =	sshll.u32 s26, $0x1;
	_ =	strace $0x80000046;
	[dreg:$0x1] =	wrdreg $0xFFFFFFFF  }
0xa7: {  	s28 =	simm.s32 $_size_execute0_lowered;
	s2 =	sadd.s32 s2, s4;
	[dreg:$0x0] =	wrdreg $0x0  }
0xa8: {  	s4 =	sshll.u32 s28, $0x1;
	[dreg:$0x2] =	wrdreg s2  }
0xa9: {  	[dreg:$0x3] =	wrdreg s4  }
0xaa: {  	[dreg:$0x4] =	wrdreg $0xC0  }
0xab: {  	_ =	task [dreg:s6], $0x5FFFF  }
0xac: {  	[dreg:$0x1] =	wrdreg $0xFFFFFFFF  }
0xad: {  	[dreg:$0x0] =	wrdreg $0x60  }
0xae: {  	[dreg:$0x2] =	wrdreg s24  }
0xaf: {  	[dreg:$0x3] =	wrdreg $0x9  }
0xb0: {  	_ =	task.clear_ibuf [dreg:s6], $0x4FFFF;
	_ =	strace $0x90000046  }
0xb1: {  	s29 =	simm.s32 $0x9;
	_ =	strace $0x80000048  }
0xb2: {  	_ =	swait.ge [sflag:s29], $0x1  }
0xb3: {  	[sflag:s29] =	ssyncadd.s32 $0xFFFFFFFF  }
0xb4: {  	_ =	strace $0x90000048  }
0xb5: {  	_ =	sfence  }
0xb6: {  	s30 =	sld [smem:$0x0];
	_ =	sdelay $0x2  }
0xb7: {  	s31 =	sshll.u32 s1, $0xD;
	s1 =	sshrl.u32 s1, $0x2  }
0xb8: {  	s3 =	sand.u32 $0x4000, s31;
	s1 =	sadd.s32 s1, s30  }
0xb9: {  	s0 =	sor.u32 s3, s0;
	s1 =	sshll.u32 s1, $0x11  }
0xba: {  	s0 =	sor.u32 s1, s0  }
0xbb: {  	s0 =	sadd.s32 $0x8F2B, s0  }
0xbc: {  	[sflag:s0] =	ssyncadd.remote.s32 $0x1  }
0xbd: {  	_ =	sfence.sel $0xFFFF  }
0xbe: {  	[dreg:$0x0] =	wrdreg $0xFFFFFFFF;
	(pc) =	sbr.abs _section_cstart, $3  }
0xbf: {  	[dreg:$0x1] =	wrdreg $0xFFFFFFFF  }
0xc0: {  	_ =	task.clear_ibuf [dreg:s6], $0x2FFFF;
	_ =	strace $0x9FFFFFFF  }
0xc1: {  	(tm) =	ssettm $0x7FFFFFFF  }
tec
execute0_lowered:
.L_overlay_start_1:
0x0: {  	(tag) =	ssettag $0x1  }
0x1: {  	s1 =	srdreg.scid;
	s0 =	stileid.u32  }
0x2: {  	s4 =	rddreg [dreg:$0x0];
	s2 =	simm.s32 $0x0;
	s15 =	simm.s32 $0x1400  }
0x3: {  	s16 =	simm.s32 $0x14000;
	s17 =	simm.s32 $0x5000;
	s5 =	smul.u32 $0x280, s0  }
0x4: {  	s18 =	simm.s32 $0x7800;
	s19 =	simm.s32 $0x7980;
	s7 =	smul.u32 $0xA00, s0  }
0x5: {  	s10 =	sand.u32 $0x1, s1;
	s1 =	rddreg [dreg:$0x1];
	s9 =	smul.u32 $0x5000, s0  }
0x6: {  	s20 =	simm.s32 $0x0;
	[smem:$0x7FF] =	sst s2;
	s28 =	smul.u32 $0x1400, s0  }
0x7: {  	s6 =	sadd.s32 $0x2000, s4;
	s13 =	sshrl.u32 s0, $0x3;
	s3 =	smul.u32 $0x140, s10  }
0x8: {  	s14 =	sadd.s32 $0xC000, s4;
	s26 =	sshll.u32 s0, $0x7;
	s12 =	smul.u32 $0x28000, s10  }
0x9: {  	_ =	strace $0x80000047;
	s24 =	ssub.s32 $0x2, s10;
	s25 =	smul.u32 $0x14000, s13  }
0xa: {  	s10 =	smul.u32 $0xA00, s10;
	s13 =	simm.s32 $0x80;
	s11 =	sshrl.u32 s24, $0x1  }
0xb: {  	s9 =	sshrl.u32 s9, $0x3;
	s5 =	sadd.s32 s3, s5;
	s29 =	sadd.s32 s28, s12  }
0xc: {  	s11 =	ssub.s32 s24, s11;
	s5 =	sshll.u32 s5, $0x4;
	s31 =	sshrl.u32 s29, $0x3  }
0xd: {  	s8 =	sadd.s32 s5, s4;
	s4 =	sadd.s32 s6, s7;
	s5 =	sadd.s32 s12, s25  }
0xe: {  	s7 =	sand.u32 $0x380, s26;
	s6 =	sadd.s32 s6, s9;
	s9 =	smax.u32 s11, $0x1  }
0xf: {  	s11 =	simm.s32 $0x1;
	s12 =	simm.s32 $0x2800;
	s7 =	sor.u32 s7, s5  }
0x10: {  	s5 =	sadd.s32 $0x500, s6;
	s8 =	sadd.s32 $0x16000, s8;
	s30 =	sshrl.u32 s7, $0x3  }
0x11: {  	v0 =	vimm.f32 $0.0e+00;
	v1 =	vimm.f32 $1.000000000e+00;
	s7 =	sadd.s32 s14, s31;
	s6 =	sadd.s32 s14, s30;
	s14 =	simm.s32 $0x400  }
.LBB2_1:
0x12: {  	s21 =	simm.s32 $0x40;
	s22 =	simm.s32 $0x0  }
.LBB2_2:
0x13: {  	p0 =	sne.s32 s21, $0x9FC0;
	[tilespmem:s22+$0x2800] =	vst v0;
	s22 =	smov.u32 s21;
	s21 =	sadd.s32 $0x40, s21  }
.Ltmp0:
0x14: {  	(pc) =	sbr.rel @p0 .LBB2_2-.Ltmp0, $2  }
0x15: {  	_ =	sdelay $0x2  }
0x16: {  	s22 =	sshra.s32 s22, $0x2  }
0x17: {  	[tilespmem:s22+$0x2800] =	vst v0;
	s21 =	simm.s32 $0x0  }
0x18: {  	[tilespmem:s21], [sflag:$0x1] =	stream.linear.gather [hbm4b:s4+s21], $0x2800, $0x38;
	[tilespmem:$0x11980] =	vst v63  }
0x19: {  	_ =	swait.ge [sflag:s11], $0x2800  }
0x1a: {  	[sflag:s11] =	ssyncset.done $0x0  }
0x1b: {  	[sflag:s11] =	ssyncadd.s32 $0xFFFFD800  }
.LBB2_4:
0x1c: {  	s22 =	sshra.s32 s21, $0x2  }
0x1d: {  	v2 =	vld [tilespmem:s22+$0x0];
	_ =	sdelay $0x7  }
0x1e: {  	[tilespmem:v2+s12+$0x0] =	vst.idx.add.f32.msk $0xffff, v1  }
0x1f: {  	v2 =	vld [tilespmem:s22+$0x10];
	_ =	sdelay $0x7  }
0x20: {  	[tilespmem:v2+s12+$0x0] =	vst.idx.add.f32.msk $0xffff, v1  }
0x21: {  	v2 =	vld [tilespmem:s22+$0x20];
	_ =	sdelay $0x7  }
0x22: {  	[tilespmem:v2+s12+$0x0] =	vst.idx.add.f32.msk $0xffff, v1  }
0x23: {  	v2 =	vld [tilespmem:s22+$0x30];
	_ =	sdelay $0x7  }
0x24: {  	[tilespmem:v2+s12+$0x0] =	vst.idx.add.f32.msk $0xffff, v1  }
0x25: {  	v2 =	vld [tilespmem:s22+$0x40];
	_ =	sdelay $0x7  }
0x26: {  	[tilespmem:v2+s12+$0x0] =	vst.idx.add.f32.msk $0xffff, v1  }
0x27: {  	v2 =	vld [tilespmem:s22+$0x50];
	_ =	sdelay $0x7  }
0x28: {  	[tilespmem:v2+s12+$0x0] =	vst.idx.add.f32.msk $0xffff, v1  }
0x29: {  	v2 =	vld [tilespmem:s22+$0x60];
	_ =	sdelay $0x7  }
0x2a: {  	[tilespmem:v2+s12+$0x0] =	vst.idx.add.f32.msk $0xffff, v1  }
0x2b: {  	v2 =	vld [tilespmem:s22+$0x70];
	_ =	sdelay $0x2  }
0x2c: {  	p0 =	sne.s32 s21, $0x9E00  }
.Ltmp1:
0x2d: {  	_ = 	snop;
	(pc) =	sbr.rel @p0 .LBB2_4-.Ltmp1, $2  }
0x2e: {  	_ =	sdelay $0x2  }
0x2f: {  	s21 =	sadd.s32 $0x200, s21;
	[tilespmem:v2+s12+$0x0] =	vst.idx.add.f32.msk $0xffff, v1  }
0x30: {  	s21 =	simm.s32 $0x0  }
0x31: {  	[tilespmem:s21], [sflag:$0x1] =	stream.linear.gather [hbm4b:s5+s21], $0x2800, $0x38;
	[tilespmem:$0x11980] =	vst v63  }
0x32: {  	_ =	swait.ge [sflag:s11], $0x2800  }
0x33: {  	[sflag:s11] =	ssyncset.done $0x0  }
0x34: {  	[sflag:s11] =	ssyncadd.s32 $0xFFFFD800  }
.LBB2_6:
0x35: {  	s22 =	sshra.s32 s21, $0x2  }
0x36: {  	v2 =	vld [tilespmem:s22+$0x0];
	_ =	sdelay $0x7  }
0x37: {  	[tilespmem:v2+s12+$0x0] =	vst.idx.add.f32.msk $0xffff, v1  }
0x38: {  	v2 =	vld [tilespmem:s22+$0x10];
	_ =	sdelay $0x7  }
0x39: {  	[tilespmem:v2+s12+$0x0] =	vst.idx.add.f32.msk $0xffff, v1  }
0x3a: {  	v2 =	vld [tilespmem:s22+$0x20];
	_ =	sdelay $0x7  }
0x3b: {  	[tilespmem:v2+s12+$0x0] =	vst.idx.add.f32.msk $0xffff, v1  }
0x3c: {  	v2 =	vld [tilespmem:s22+$0x30];
	_ =	sdelay $0x7  }
0x3d: {  	[tilespmem:v2+s12+$0x0] =	vst.idx.add.f32.msk $0xffff, v1  }
0x3e: {  	v2 =	vld [tilespmem:s22+$0x40];
	_ =	sdelay $0x7  }
0x3f: {  	[tilespmem:v2+s12+$0x0] =	vst.idx.add.f32.msk $0xffff, v1  }
0x40: {  	v2 =	vld [tilespmem:s22+$0x50];
	_ =	sdelay $0x7  }
0x41: {  	[tilespmem:v2+s12+$0x0] =	vst.idx.add.f32.msk $0xffff, v1  }
0x42: {  	v2 =	vld [tilespmem:s22+$0x60];
	_ =	sdelay $0x7  }
0x43: {  	[tilespmem:v2+s12+$0x0] =	vst.idx.add.f32.msk $0xffff, v1  }
0x44: {  	v2 =	vld [tilespmem:s22+$0x70];
	_ =	sdelay $0x2  }
0x45: {  	p0 =	sne.s32 s21, $0x9E00  }
.Ltmp2:
0x46: {  	_ = 	snop;
	(pc) =	sbr.rel @p0 .LBB2_6-.Ltmp2, $2  }
0x47: {  	_ =	sdelay $0x2  }
0x48: {  	s21 =	sadd.s32 $0x200, s21;
	[tilespmem:v2+s12+$0x0] =	vst.idx.add.f32.msk $0xffff, v1  }
0x49: {  	[hbm4b:s6+s13] =	stream.strided.scatter [tilespmem:s12], [sflag:$0x1], $0x2800, s14, s13, $0x38;
	[tilespmem:$0x11980] =	vst v63  }
0x4a: {  	_ =	swait.ge [sflag:s11], $0x2800  }
0x4b: {  	[sflag:s11] =	ssyncset.done $0x0  }
0x4c: {  	[sflag:s11] =	ssyncadd.s32 $0xFFFFD800  }
0x4d: {  	[bflag:$0x0] =	sbarrier.arrive $0xFFFF  }
0x4e: {  	[tilespmem:s17], [sflag:$0x1] =	stream.strided.gather [hbm4b:s7+s15], $0x2800, s16, s15, $0x38;
	[tilespmem:$0x11980] =	vst v63  }
0x4f: {  	_ =	swait.ge [sflag:s11], $0x2800  }
0x50: {  	s21 =	sand.u32 $0x70, s3;
	s22 =	sand.u32 $0x1C00, s10;
	[sflag:s11] =	ssyncset.done $0x0  }
0x51: {  	s21 =	sor.u32 s21, s22;
	[sflag:s11] =	ssyncadd.s32 $0xFFFFD800  }
0x52: {  	v2 =	vld [tilespmem:s21+$0x5000];
	_ =	sdelay $0x1  }
0x53: {  	v3 =	vld [tilespmem:s21+$0x5080];
	_ =	sdelay $0x1  }
0x54: {  	v4 =	vld [tilespmem:s21+$0x5100]  }
0x55: {  	v2 =	vadd.f32 $1.000000000e+00, v2  }
0x56: {  	v5 =	vld [tilespmem:s21+$0x5180]  }
0x57: {  	v2 =	vadd.f32 v3, v2  }
0x58: {  	v3 =	vld [tilespmem:s21+$0x5200]  }
0x59: {  	v2 =	vadd.f32 v4, v2  }
0x5a: {  	v55 =	vld [tilespmem:s21+$0x5280]  }
0x5b: {  	v2 =	vadd.f32 v5, v2  }
0x5c: {  	s31 =	sor.u32 s10, s3;
	v56 =	vld [tilespmem:s21+$0x5300]  }
0x5d: {  	s22 =	sor.u32 $0x380, s31;
	v2 =	vadd.f32 v3, v2  }
0x5e: {  	v3 =	vld [tilespmem:s22+$0x5000]  }
0x5f: {  	v2 =	vadd.f32 v55, v2  }
0x60: {  	v57 =	vld [tilespmem:s21+$0x6400]  }
0x61: {  	v2 =	vadd.f32 v56, v2  }
0x62: {  	v58 =	vld [tilespmem:s21+$0x6480]  }
0x63: {  	v2 =	vadd.f32 v3, v2  }
0x64: {  	v3 =	vld [tilespmem:s21+$0x6500]  }
0x65: {  	v2 =	vadd.f32 v57, v2  }
0x66: {  	v59 =	vld [tilespmem:s21+$0x6580]  }
0x67: {  	v2 =	vadd.f32 v58, v2  }
0x68: {  	v60 =	vld [tilespmem:s21+$0x6600]  }
0x69: {  	v2 =	vadd.f32 v3, v2  }
0x6a: {  	v3 =	vld [tilespmem:s21+$0x6680]  }
0x6b: {  	v2 =	vadd.f32 v59, v2  }
0x6c: {  	v61 =	vld [tilespmem:s21+$0x6700]  }
0x6d: {  	v2 =	vadd.f32 v60, v2  }
0x6e: {  	v62 =	vld [tilespmem:s21+$0x6780]  }
0x6f: {  	v2 =	vadd.f32 v3, v2;
	_ =	sdelay $0x1  }
0x70: {  	v2 =	vadd.f32 v61, v2;
	_ =	sdelay $0x1  }
0x71: {  	v2 =	vadd.f32 v62, v2;
	_ =	sdelay $0x1  }
0x72: {  	v3 =	vshra.s32 v2, $0x1;
	v2 =	vmul.f32 $5.000000000e-01, v2  }
0x73: {  	v3 =	vsub.s32 $0x5F3759DF, v3  }
0x74: {  	v63 =	vmul.f32 v3, v2;
	_ =	sdelay $0x1  }
0x75: {  	v4 =	vmul.f32 v3, v63;
	_ =	sdelay $0x1  }
0x76: {  	v4 =	vsub.f32 $1.500000000e+00, v4;
	_ =	sdelay $0x1  }
0x77: {  	v3 =	vmul.f32 v3, v4;
	_ =	sdelay $0x1  }
0x78: {  	v4 =	vmul.f32 v3, v2;
	_ =	sdelay $0x1  }
0x79: {  	v4 =	vmul.f32 v4, v3;
	_ =	sdelay $0x1  }
0x7a: {  	v4 =	vsub.f32 $1.500000000e+00, v4;
	_ =	sdelay $0x1  }
0x7b: {  	v3 =	vmul.f32 v4, v3;
	_ =	sdelay $0x1  }
0x7c: {  	v2 =	vmul.f32 v3, v2;
	_ =	sdelay $0x1  }
0x7d: {  	v2 =	vmul.f32 v2, v3;
	_ =	sdelay $0x1  }
0x7e: {  	v2 =	vsub.f32 $1.500000000e+00, v2  }
0x7f: {  	s26 =	simm.s32 $0x0;
	s23 =	sadd.s32 $0x10, s3  }
0x80: {  	s24 =	sadd.s32 $0x80, s10;
	s25 =	simm.s32 $0x80;
	s28 =	sand.u32 $0x70, s23;
	v2 =	vmul.f32 v2, v3  }
0x81: {  	s29 =	sand.u32 $0x1C00, s24;
	s22 =	simm.s32 $0x40;
	s21 =	simm.s32 $0x0  }
.LBB2_8:
0x82: {  	p0 =	sne.s32 s25, $0x4C0;
	s28 =	sor.u32 s28, s29;
	[tilespmem:s26+$0x7800] =	vst v2;
	s26 =	smov.u32 s22  }
0x83: {  	s22 =	smov.u32 s25;
	v2 =	vld [tilespmem:s28+$0x5000];
	_ =	sdelay $0x1  }
0x84: {  	v3 =	vld [tilespmem:s28+$0x5080];
	_ =	sdelay $0x1  }
0x85: {  	v4 =	vld [tilespmem:s28+$0x5100]  }
0x86: {  	v2 =	vadd.f32 $1.000000000e+00, v2  }
0x87: {  	v5 =	vld [tilespmem:s28+$0x5180]  }
0x88: {  	v2 =	vadd.f32 v3, v2  }
0x89: {  	v3 =	vld [tilespmem:s28+$0x5200]  }
0x8a: {  	v2 =	vadd.f32 v4, v2  }
0x8b: {  	v4 =	vld [tilespmem:s28+$0x5280]  }
0x8c: {  	v2 =	vadd.f32 v5, v2  }
0x8d: {  	s29 =	sor.u32 s24, s23;
	v5 =	vld [tilespmem:s28+$0x5300]  }
0x8e: {  	s29 =	sor.u32 $0x380, s29;
	v2 =	vadd.f32 v3, v2  }
0x8f: {  	v3 =	vld [tilespmem:s29+$0x5000]  }
0x90: {  	v2 =	vadd.f32 v4, v2  }
0x91: {  	v4 =	vld [tilespmem:s28+$0x6400]  }
0x92: {  	v2 =	vadd.f32 v5, v2  }
0x93: {  	v5 =	vld [tilespmem:s28+$0x6480]  }
0x94: {  	v2 =	vadd.f32 v3, v2  }
0x95: {  	v3 =	vld [tilespmem:s28+$0x6500]  }
0x96: {  	v2 =	vadd.f32 v4, v2  }
0x97: {  	v4 =	vld [tilespmem:s28+$0x6580]  }
0x98: {  	v2 =	vadd.f32 v5, v2  }
0x99: {  	v5 =	vld [tilespmem:s28+$0x6600]  }
0x9a: {  	v2 =	vadd.f32 v3, v2  }
0x9b: {  	v3 =	vld [tilespmem:s28+$0x6680]  }
0x9c: {  	v2 =	vadd.f32 v4, v2  }
0x9d: {  	v4 =	vld [tilespmem:s28+$0x6700]  }
0x9e: {  	v2 =	vadd.f32 v5, v2  }
0x9f: {  	v5 =	vld [tilespmem:s28+$0x6780]  }
0xa0: {  	v2 =	vadd.f32 v3, v2;
	_ =	sdelay $0x1  }
0xa1: {  	v2 =	vadd.f32 v4, v2;
	_ =	sdelay $0x1  }
0xa2: {  	v2 =	vadd.f32 v5, v2;
	_ =	sdelay $0x1  }
0xa3: {  	v3 =	vshra.s32 v2, $0x1;
	v2 =	vmul.f32 $5.000000000e-01, v2  }
0xa4: {  	v3 =	vsub.s32 $0x5F3759DF, v3  }
0xa5: {  	v4 =	vmul.f32 v3, v2;
	_ =	sdelay $0x1  }
0xa6: {  	v4 =	vmul.f32 v3, v4;
	_ =	sdelay $0x1  }
0xa7: {  	v4 =	vsub.f32 $1.500000000e+00, v4;
	_ =	sdelay $0x1  }
0xa8: {  	v3 =	vmul.f32 v3, v4;
	_ =	sdelay $0x1  }
0xa9: {  	v4 =	vmul.f32 v3, v2;
	_ =	sdelay $0x1  }
0xaa: {  	v4 =	vmul.f32 v4, v3;
	_ =	sdelay $0x1  }
0xab: {  	v4 =	vsub.f32 $1.500000000e+00, v4;
	_ =	sdelay $0x1  }
0xac: {  	v3 =	vmul.f32 v4, v3;
	_ =	sdelay $0x1  }
0xad: {  	v2 =	vmul.f32 v3, v2;
	_ =	sdelay $0x1  }
0xae: {  	v2 =	vmul.f32 v2, v3  }
.Ltmp3:
0xaf: {  	(pc) =	sbr.rel @p0 .LBB2_8-.Ltmp3, $3  }
0xb0: {  	v2 =	vsub.f32 $1.500000000e+00, v2;
	_ =	sdelay $0x1  }
0xb1: {  	s23 =	sadd.s32 $0x10, s23;
	s24 =	sadd.s32 $0x80, s24;
	s26 =	sshra.s32 s26, $0x2;
	v2 =	vmul.f32 v2, v3  }
0xb2: {  	s25 =	sadd.s32 $0x40, s25;
	s29 =	sand.u32 $0x1C00, s24;
	s28 =	sand.u32 $0x70, s23  }
0xb3: {  	s25 =	sor.u32 s28, s29;
	[tilespmem:s26+$0x7800] =	vst v2  }
0xb4: {  	v2 =	vld [tilespmem:s25+$0x5000];
	_ =	sdelay $0x1  }
0xb5: {  	v3 =	vld [tilespmem:s25+$0x5080];
	_ =	sdelay $0x1  }
0xb6: {  	v4 =	vld [tilespmem:s25+$0x5100]  }
0xb7: {  	v2 =	vadd.f32 $1.000000000e+00, v2  }
0xb8: {  	v5 =	vld [tilespmem:s25+$0x5180]  }
0xb9: {  	v2 =	vadd.f32 v3, v2  }
0xba: {  	v3 =	vld [tilespmem:s25+$0x5200]  }
0xbb: {  	v2 =	vadd.f32 v4, v2  }
0xbc: {  	v4 =	vld [tilespmem:s25+$0x5280]  }
0xbd: {  	v2 =	vadd.f32 v5, v2  }
0xbe: {  	s23 =	sor.u32 s24, s23;
	v5 =	vld [tilespmem:s25+$0x5300]  }
0xbf: {  	s23 =	sor.u32 $0x380, s23;
	v2 =	vadd.f32 v3, v2  }
0xc0: {  	v3 =	vld [tilespmem:s23+$0x5000]  }
0xc1: {  	v2 =	vadd.f32 v4, v2  }
0xc2: {  	v4 =	vld [tilespmem:s25+$0x6400]  }
0xc3: {  	v2 =	vadd.f32 v5, v2  }
0xc4: {  	v5 =	vld [tilespmem:s25+$0x6480]  }
0xc5: {  	v2 =	vadd.f32 v3, v2  }
0xc6: {  	v3 =	vld [tilespmem:s25+$0x6500]  }
0xc7: {  	v2 =	vadd.f32 v4, v2  }
0xc8: {  	v4 =	vld [tilespmem:s25+$0x6580]  }
0xc9: {  	v2 =	vadd.f32 v5, v2  }
0xca: {  	v5 =	vld [tilespmem:s25+$0x6600]  }
0xcb: {  	v2 =	vadd.f32 v3, v2  }
0xcc: {  	v3 =	vld [tilespmem:s25+$0x6680]  }
0xcd: {  	v2 =	vadd.f32 v4, v2  }
0xce: {  	v4 =	vld [tilespmem:s25+$0x6700]  }
0xcf: {  	v2 =	vadd.f32 v5, v2  }
0xd0: {  	v5 =	vld [tilespmem:s25+$0x6780]  }
0xd1: {  	v2 =	vadd.f32 v3, v2;
	_ =	sdelay $0x1  }
0xd2: {  	v2 =	vadd.f32 v4, v2;
	_ =	sdelay $0x1  }
0xd3: {  	v2 =	vadd.f32 v5, v2;
	_ =	sdelay $0x1  }
0xd4: {  	v3 =	vshra.s32 v2, $0x1;
	v2 =	vmul.f32 $5.000000000e-01, v2  }
0xd5: {  	v3 =	vsub.s32 $0x5F3759DF, v3  }
0xd6: {  	v4 =	vmul.f32 v3, v2;
	_ =	sdelay $0x1  }
0xd7: {  	v4 =	vmul.f32 v3, v4;
	_ =	sdelay $0x1  }
0xd8: {  	v4 =	vsub.f32 $1.500000000e+00, v4;
	_ =	sdelay $0x1  }
0xd9: {  	v3 =	vmul.f32 v3, v4;
	_ =	sdelay $0x1  }
0xda: {  	v4 =	vmul.f32 v3, v2;
	_ =	sdelay $0x1  }
0xdb: {  	v4 =	vmul.f32 v4, v3;
	_ =	sdelay $0x1  }
0xdc: {  	v4 =	vsub.f32 $1.500000000e+00, v4;
	_ =	sdelay $0x1  }
0xdd: {  	v3 =	vmul.f32 v4, v3;
	_ =	sdelay $0x1  }
0xde: {  	v2 =	vmul.f32 v3, v2;
	_ =	sdelay $0x1  }
0xdf: {  	v2 =	vmul.f32 v2, v3;
	_ =	sdelay $0x1  }
0xe0: {  	v4 =	vmov s21;
	v2 =	vsub.f32 $1.500000000e+00, v2;
	_ =	sdelay $0x1  }
0xe1: {  	v2 =	vmul.f32 v2, v3  }
0xe2: {  	s30 =	sshra.s32 s22, $0x2  }
0xe3: {  	[tilespmem:s30+$0x7800] =	vst v2  }
0xe4: {  	v2 =	vld.idx.msk [tilespmem:v4+s18+$0x0], $0xffff;
	_ =	sdelay $0x3  }
0xe5: {  	s21 =	simm.s32 $0x79C0  }
0xe6: {  	[tilespmem:s21+$0xFFFFFFC0] =	vst v2  }
0xe7: {  	[tilespmem:s21+$0xFFFFFFD0] =	vst v2  }
0xe8: {  	s31 =	simm.s32 $0x1;
	[tilespmem:s21+$0xFFFFFFE0] =	vst v2  }
0xe9: {  	s22 =	simm.s32 $0x2;
	v3 =	vmov s31;
	[tilespmem:s21+$0xFFFFFFF0] =	vst v2  }
.LBB2_10:
0xea: {  	p0 =	sne.s32 s22, $0x13F;
	[tilespmem:s21+$0x0] =	vst v2  }
0xeb: {  	[tilespmem:s21+$0x10] =	vst v2  }
0xec: {  	[tilespmem:s21+$0x20] =	vst v2  }
0xed: {  	[tilespmem:s21+$0x30] =	vst v2  }
0xee: {  	v2 =	vld.idx.msk [tilespmem:v3+s18+$0x0], $0xffff;
	_ =	sdelay $0x4  }
.Ltmp4:
0xef: {  	s21 =	sadd.s32 $0x80, s21;
	(pc) =	sbr.rel @p0 .LBB2_10-.Ltmp4, $4  }
0xf0: {  	[tilespmem:s21+$0xFFFFFFC0] =	vst v2  }
0xf1: {  	[tilespmem:s21+$0xFFFFFFD0] =	vst v2  }
0xf2: {  	[tilespmem:s21+$0xFFFFFFE0] =	vst v2  }
0xf3: {  	v3 =	vmov s22;
	s22 =	sadd.s32 $0x1, s22;
	[tilespmem:s21+$0xFFFFFFF0] =	vst v2  }
0xf4: {  	[tilespmem:s21+$0x0] =	vst v2  }
0xf5: {  	[tilespmem:s21+$0x10] =	vst v2  }
0xf6: {  	[tilespmem:s21+$0x20] =	vst v2  }
0xf7: {  	[tilespmem:s21+$0x30] =	vst v2  }
0xf8: {  	v2 =	vld.idx.msk [tilespmem:v3+s18+$0x0], $0xffff;
	_ =	sdelay $0x3  }
0xf9: {  	s31 =	sadd.s32 $0x80, s21  }
0xfa: {  	[tilespmem:s31+$0xFFFFFFC0] =	vst v2  }
0xfb: {  	[tilespmem:s31+$0xFFFFFFD0] =	vst v2  }
0xfc: {  	[tilespmem:s31+$0xFFFFFFE0] =	vst v2  }
0xfd: {  	[tilespmem:s31+$0xFFFFFFF0] =	vst v2  }
0xfe: {  	[tilespmem:s31+$0x0] =	vst v2  }
0xff: {  	s20 =	sadd.s32 $0x1, s20;
	[tilespmem:s31+$0x10] =	vst v2  }
0x100: {  	p0 =	sne.s32 s20, s9;
	[tilespmem:s31+$0x20] =	vst v2  }
.Ltmp5:
0x101: {  	[tilespmem:s31+$0x30] =	vst v2;
	(pc) =	sbr.rel @p0 .LBB2_1-.Ltmp5, $4  }
0x102: {  	[hbm4b:s8+s2] =	stream.linear.scatter [tilespmem:s19], [sflag:$0x1], $0xA000, $0x38;
	[tilespmem:$0x11980] =	vst v63  }
0x103: {  	_ =	swait.ge [sflag:s11], $0xA000  }
0x104: {  	[sflag:s11] =	ssyncset.done $0x0  }
0x105: {  	[sflag:s11] =	ssyncadd.s32 $0xFFFF6000  }
0x106: {  	_ =	sfence.sel $0x180000  }
0x107: {  	[bflag:$0x0] =	sbarrier.arrive $0xFFFF  }
0x108: {  	p0 =	sne.s32 s0, $0x0;
	_ =	strace $0x90000047  }
0x109: {  	s0 =	sadd.s32 @!p0 $0x100000, s1;
	[bflag:$0x2] =	sbarrier.arrive $0xFFFF  }
0x10a: {  	[sflag:s0] =	ssyncadd.tile.s32 @!p0 $0x1;
	_ =	shalt  }
.Lfunc_end2:
_tile_overlayer_lowered:
.L_overlay_start_2:
0x10b: {  	(tag) =	ssettag $0x2  }
0x10c: {  	s0 =	rddreg [dreg:$0x0];
	s2 =	stileid.u32  }
0x10d: {  	s1 =	rddreg [dreg:$0x1];
	p0 =	sne.s32 s2, $0x0  }
0x10e: {  	s3 =	rddreg [dreg:$0x2];
	[bflag:$0x3] =	sbarrier.arrive $0xFFFF;
	s2 =	simm.s32 @!p0 $0x1C01  }
0x10f: {  	[timem:s3], [sflag:s2] =	dma.local @!p0 [hbm:s0], s1  }
0x110: {  	s0 =	simm.s32 @!p0 $0x1  }
0x111: {  	_ =	swait.ge @!p0 [sflag:s0], s1  }
0x112: {  	s1 =	ssub.s32 @!p0 $0x0, s1;
	[sflag:s0] =	ssyncset.done @!p0 $0x0  }
0x113: {  	[sflag:s0] =	ssyncadd.s32 @!p0 s1  }
0x114: {  	[bflag:$0x3] =	sbarrier.arrive $0xFFFF  }
0x115: {  	_ =	shalt  }

// kernel: kernel.9.cloned.1.call-start
scs
__scs_entry_jumppad:
0x0: {  	(pc) =	sbr.rel $0x88, $3  }
0x1: {  	(tag) =	ssettag $0x0;
	lr =	simm.s32 $0x1  }
0x2: {  	[smem:$0x3F9D] =	sst lr;
	_ =	strace $0xD0000000  }
0x3: {  	_ = 	snop  }
0x4: {  	_ = 	snop  }
0x5: {  	_ = 	snop  }
0x6: {  	_ = 	snop  }
0x7: {  	_ = 	snop  }
__scs_overlays_trampoline_lowered:
0x8: {  	[smem:$0x3FAC] =	sst s0  }
0x9: {  	[smem:$0x3FAD] =	sst s1  }
0xa: {  	[smem:$0x3FAE] =	sst s2  }
0xb: {  	[smem:$0x3FAF] =	sst s3  }
0xc: {  	[smem:$0x3FB0] =	sst s4  }
0xd: {  	[smem:$0x3FB1] =	sst s5  }
0xe: {  	[smem:$0x3FB2] =	sst s6  }
0xf: {  	[smem:$0x3FB3] =	sst s7  }
0x10: {  	[smem:$0x3FB4] =	sst s8  }
0x11: {  	[smem:$0x3FB5] =	sst s9;
	s0 =	simm.s32 @!p0 $0x0  }
0x12: {  	s1 =	sld [smem:$0x3F9B];
	s0 =	simm.s32 @p0 $0x1  }
0x13: {  	[smem:$0x3FB6] =	sst s0;
	s0 =	simm.s32 @!p1 $0x0  }
0x14: {  	s2 =	sld [smem:$0x3F9A];
	s0 =	simm.s32 @p1 $0x1  }
0x15: {  	[smem:$0x3FB7] =	sst s0;
	s0 =	simm.s32 @!p2 $0x0  }
0x16: {  	s3 =	sld [smem:$0x3FDB];
	s0 =	simm.s32 @p2 $0x1  }
0x17: {  	s4 =	simm.s32 $0x1BF5;
	[smem:$0x3FB9] =	sst s0  }
0x18: {  	s0 =	sld [smem:$0x3F9C];
	_ =	swait.ge [sflag:s4], $0x0  }
0x19: {  	s7 =	sld [smem:$0x3F9D]  }
0x1a: {  	s8 =	sadd.s32 $0xFFFFE003, lr  }
0x1b: {  	s9 =	sadd.s32 $0xFFFFFEF7, lr;
	s5 =	simm.s32 $0xFFFFFFFF;
	p2 =	slt.u32 s8, $0xFFFFF086  }
0x1c: {  	p1 =	slt.u32 s9, $0xF7A;
	s5 =	simm.s32 @!p2 $0x0  }
0x1d: {  	s5 =	simm.s32 @p1 $0x1;
	p0 =	seq.s32 s7, s2  }
0x1e: {  	s7 =	smul.u32 @!p0 $0xF7A, s2;
	p2 =	seq.s32 @!p0 s5, $0x0  }
0x1f: {  	s9 =	smul.u32 $0xF7A, s1;
	s8 =	simm.s32 @!p0 $0x1BF5;
	p2 =	por !p2, p0  }
0x20: {  	[sflag:s8] =	ssyncset.s32 @!p0 $0xFFFFF086;
	s6 =	sadd.s32 @!p0 s3, s7;
	s7 =	simm.s32 @!p0 $0x108  }
0x21: {  	s3 =	sadd.s32 s3, s9;
	s6 =	sadd.s32 @!p0 $0x88, s6;
	s7 =	simm.s32 @p2 $0x1082  }
0x22: {  	[simem:s7], [sflag:s8] =	dma.local @!p0 [hbm:s6], $0xF7A  }
0x23: {  	s9 =	sor.u32 $0xD0000000, s2;
	s6 =	simm.s32 $0x108;
	_ =	swait.ge @!p0 [sflag:s8], $0x0  }
0x24: {  	s3 =	sadd.s32 $0x88, s3;
	s6 =	simm.s32 @!p1 $0x1082;
	[sflag:s4] =	ssyncset.s32 $0xFFFFF086  }
0x25: {  	[simem:s6], [sflag:s4] =	dma.local [hbm:s3], $0xF7A  }
0x26: {  	[smem:$0x3F9D] =	sst s1;
	(tag) =	ssettag s2;
	_ =	strace s9  }
0x27: {  	s1 =	sld [smem:$0x3FAD]  }
0x28: {  	s2 =	sld [smem:$0x3FAE]  }
0x29: {  	s4 =	sld [smem:$0x3FB0]  }
0x2a: {  	p0 =	seq.s32 s5, $0x0;
	s5 =	sld [smem:$0x3FB1]  }
0x2b: {  	s6 =	sld [smem:$0x3FB2]  }
0x2c: {  	s7 =	sld [smem:$0x3FB3]  }
0x2d: {  	s3 =	simm.s32 $0x108;
	s8 =	sld [smem:$0x3FB4]  }
0x2e: {  	s3 =	simm.s32 @!p0 $0x1082;
	s9 =	sld [smem:$0x3FB5]  }
0x2f: {  	lr =	sadd.s32 s0, s3;
	s0 =	sld [smem:$0x3FAC]  }
0x30: {  	s3 =	sld [smem:$0x3FAF]  }
0x31: {  	[smem:$0x3FB8] =	sst s10  }
0x32: {  	s10 =	sld [smem:$0x3FB6];
	_ =	sdelay $0x3  }
0x33: {  	p0 =	seq.s32 s10, $0x1;
	s10 =	sld [smem:$0x3FB8];
	_ =	sdelay $0x3  }
0x34: {  	[smem:$0x3FB8] =	sst s10  }
0x35: {  	s10 =	sld [smem:$0x3FB7];
	_ =	sdelay $0x3  }
0x36: {  	p1 =	seq.s32 s10, $0x1;
	s10 =	sld [smem:$0x3FB8];
	_ =	sdelay $0x3  }
0x37: {  	[smem:$0x3FB8] =	sst s10  }
0x38: {  	s10 =	sld [smem:$0x3FB9]  }
0x39: {  	_ = 	snop;
	(pc) =	sbr.ind lr, $3  }
0x3a: {  	_ = 	snop  }
0x3b: {  	_ = 	snop  }
0x3c: {  	p2 =	seq.s32 s10, $0x1;
	s10 =	sld [smem:$0x3FB8]  }
0x3d: {  	_ =	shalt  }
0x3e: {  	_ =	shalt  }
0x3f: {  	_ =	shalt  }
0x40: {  	_ =	shalt  }
0x41: {  	_ =	shalt  }
0x42: {  	_ =	shalt  }
0x43: {  	_ =	shalt  }
0x44: {  	_ =	shalt  }
0x45: {  	_ =	shalt  }
0x46: {  	_ =	shalt  }
0x47: {  	_ =	shalt  }
0x48: {  	_ =	shalt  }
0x49: {  	_ =	shalt  }
0x4a: {  	_ =	shalt  }
0x4b: {  	_ =	shalt  }
0x4c: {  	_ =	shalt  }
0x4d: {  	_ =	shalt  }
0x4e: {  	_ =	shalt  }
0x4f: {  	_ =	shalt  }
0x50: {  	_ =	shalt  }
0x51: {  	_ =	shalt  }
0x52: {  	_ =	shalt  }
0x53: {  	_ =	shalt  }
0x54: {  	_ =	shalt  }
0x55: {  	_ =	shalt  }
0x56: {  	_ =	shalt  }
0x57: {  	_ =	shalt  }
0x58: {  	_ =	shalt  }
0x59: {  	_ =	shalt  }
0x5a: {  	_ =	shalt  }
0x5b: {  	_ =	shalt  }
0x5c: {  	_ =	shalt  }
0x5d: {  	_ =	shalt  }
0x5e: {  	_ =	shalt  }
0x5f: {  	_ =	shalt  }
0x60: {  	_ =	shalt  }
0x61: {  	_ =	shalt  }
0x62: {  	_ =	shalt  }
0x63: {  	_ =	shalt  }
0x64: {  	_ =	shalt  }
0x65: {  	_ =	shalt  }
0x66: {  	_ =	shalt  }
0x67: {  	_ =	shalt  }
0x68: {  	_ =	shalt  }
0x69: {  	_ =	shalt  }
0x6a: {  	_ =	shalt  }
0x6b: {  	_ =	shalt  }
0x6c: {  	_ =	shalt  }
0x6d: {  	_ =	shalt  }
0x6e: {  	_ =	shalt  }
0x6f: {  	_ =	shalt  }
0x70: {  	_ =	shalt  }
0x71: {  	_ =	shalt  }
0x72: {  	_ =	shalt  }
0x73: {  	_ =	shalt  }
0x74: {  	_ =	shalt  }
0x75: {  	_ =	shalt  }
0x76: {  	_ =	shalt  }
0x77: {  	_ =	shalt  }
0x78: {  	_ =	shalt  }
0x79: {  	_ =	shalt  }
0x7a: {  	_ =	shalt  }
0x7b: {  	_ =	shalt  }
0x7c: {  	_ =	shalt  }
0x7d: {  	_ =	shalt  }
0x7e: {  	_ =	shalt  }
0x7f: {  	_ =	shalt  }
0x80: {  	_ =	shalt  }
0x81: {  	_ =	shalt  }
0x82: {  	_ =	shalt  }
0x83: {  	_ =	shalt  }
0x84: {  	_ =	shalt  }
0x85: {  	_ =	shalt  }
0x86: {  	_ =	shalt  }
0x87: {  	_ =	shalt  }
.Lfunc_end0:
.L_simem_size_0:
called_computation.1_lowered:
.L_overlay_start_0:
0x88: {  	s2 =	sld [smem:$0x3FD9]  }
0x89: {  	s3 =	sld [smem:$0x3FFE];
	_ =	sdelay $0x1  }
0x8a: {  	s1 =	srdreg.scid  }
0x8b: {  	s0 =	sand.u32 $0x1, s1  }
0x8c: {  	s17 =	sshll.u32 s0, $0xA;
	s2 =	sadd.s32 s3, s2  }
0x8d: {  	s2 =	sadd.s32 s2, s17  }
0x8e: {  	[smem:$0x3FC4] =	sst s2  }
0x8f: {  	_ = 	snop  }
0x90: {  	s2 =	sld [smem:$0x3FD0];
	(tm) =	ssettm $0x1  }
0x91: {  	s18 =	sld [smem:$0x3FFB];
	_ =	sdelay $0x3  }
0x92: {  	_ =	strace s18  }
0x93: {  	s3 =	sld [smem:$0x3FFC];
	_ =	sdelay $0x3  }
0x94: {  	_ =	strace s3  }
0x95: {  	s3 =	sld [smem:$0x3FFD];
	_ =	sdelay $0x3  }
0x96: {  	_ =	strace s3  }
0x97: {  	_ =	strace $0x8FFFFFFF  }
0x98: {  	s19 =	sld [smem:$0x3FDB];
	_ =	sdelay $0x1  }
0x99: {  	s4 =	simm.s32 $_scs_section_size  }
0x9a: {  	s5 =	simm.s32 $_size__tile_overlayer_lowered;
	s6 =	simm.s32 $_tile_overlayer_lowered  }
0x9b: {  	s22 =	simm.s32 $0x1BFF;
	s21 =	sshll.u32 s6, $0x1;
	s3 =	sadd.s32 s4, s19  }
0x9c: {  	s7 =	simm.s32 $0x0;
	s20 =	sshll.u32 s5, $0x1;
	s5 =	sadd.s32 s21, s3  }
0x9d: {  	[timem:s7], [sflag:s22] =	dma.local [hbm:s5], s20  }
0x9e: {  	_ =	swait.ge [sflag:s22], s20  }
0x9f: {  	s4 =	ssub.s32 $0x0, s20;
	[sflag:s22] =	ssyncset.done $0x0  }
0xa0: {  	[sflag:s22] =	ssyncadd.s32 s4;
	_ =	sdelay $0x1  }
0xa1: {  	s23 =	simm.s32 $0x1B8B  }
0xa2: {  	_ =	swait.ge [sflag:s23], $0x1  }
0xa3: {  	[sflag:s23] =	ssyncset.done $0x0  }
0xa4: {  	s25 =	simm.s32 $0x1B8E;
	s24 =	sld [smem:$0x3FFE];
	[sflag:s23] =	ssyncadd.s32 $0xFFFFFFFF  }
0xa5: {  	s26 =	simm.s32 $execute0_lowered;
	[smem:$0x3FD2] =	sst s25  }
0xa6: {  	s5 =	sshll.u32 s26, $0x1;
	_ =	strace $0x80000049;
	[dreg:$0x1] =	wrdreg $0xFFFFFFFF  }
0xa7: {  	s28 =	simm.s32 $_size_execute0_lowered;
	s3 =	sadd.s32 s3, s5;
	[dreg:$0x0] =	wrdreg $0x0  }
0xa8: {  	s5 =	sshll.u32 s28, $0x1;
	[dreg:$0x2] =	wrdreg s3  }
0xa9: {  	[dreg:$0x3] =	wrdreg s5  }
0xaa: {  	[dreg:$0x4] =	wrdreg $0xC0  }
0xab: {  	_ =	task [dreg:s7], $0x5FFFF  }
0xac: {  	[dreg:$0x1] =	wrdreg $0xFFFFFFFF  }
0xad: {  	[dreg:$0x0] =	wrdreg $0x60  }
0xae: {  	[dreg:$0x2] =	wrdreg s24  }
0xaf: {  	[dreg:$0x3] =	wrdreg s2  }
0xb0: {  	[dreg:$0x4] =	wrdreg $0xA8000  }
0xb1: {  	[dreg:$0x5] =	wrdreg $0x9  }
0xb2: {  	_ =	task.clear_ibuf [dreg:s7], $0x6FFFF;
	_ =	strace $0x90000049  }
0xb3: {  	s29 =	simm.s32 $0x9;
	_ =	strace $0x8000004B  }
0xb4: {  	_ =	swait.ge [sflag:s29], $0x1  }
0xb5: {  	[sflag:s29] =	ssyncadd.s32 $0xFFFFFFFF  }
0xb6: {  	_ =	strace $0x9000004B  }
0xb7: {  	_ =	sfence  }
0xb8: {  	s30 =	sld [smem:$0x0];
	_ =	sdelay $0x2  }
0xb9: {  	s31 =	sshll.u32 s1, $0xD;
	s1 =	sshrl.u32 s1, $0x2  }
0xba: {  	s3 =	sand.u32 $0x4000, s31;
	s1 =	sadd.s32 s1, s30  }
0xbb: {  	s0 =	sor.u32 s3, s0;
	s1 =	sshll.u32 s1, $0x11  }
0xbc: {  	s0 =	sor.u32 s1, s0  }
0xbd: {  	s0 =	sadd.s32 $0x8F2B, s0  }
0xbe: {  	[sflag:s0] =	ssyncadd.remote.s32 $0x1  }
0xbf: {  	_ =	sfence.sel $0xFFFF  }
0xc0: {  	[dreg:$0x0] =	wrdreg $0xFFFFFFFF;
	(pc) =	sbr.abs _section_cstart, $3  }
0xc1: {  	[dreg:$0x1] =	wrdreg $0xFFFFFFFF  }
0xc2: {  	_ =	task.clear_ibuf [dreg:s7], $0x2FFFF;
	_ =	strace $0x9FFFFFFF  }
0xc3: {  	(tm) =	ssettm $0x7FFFFFFF  }
tec
execute0_lowered:
.L_overlay_start_1:
0x0: {  	(tag) =	ssettag $0x1  }
0x1: {  	s6 =	rddreg [dreg:$0x0]  }
0x2: {  	s9 =	rddreg [dreg:$0x1]  }
0x3: {  	s1 =	rddreg [dreg:$0x2];
	s2 =	srdreg.scid  }
0x4: {  	s0 =	rddreg [dreg:$0x3];
	s3 =	simm.s32 $0x0;
	s15 =	simm.s32 $0x1400  }
0x5: {  	s16 =	simm.s32 $0x80;
	s17 =	simm.s32 $0x2800;
	s18 =	simm.s32 $0x6800  }
0x6: {  	s19 =	simm.s32 $0x1;
	s20 =	simm.s32 $0x2;
	s21 =	simm.s32 $0x1380  }
0x7: {  	s22 =	simm.s32 $0x2700;
	s5 =	sand.u32 $0x1, s2;
	s2 =	stileid.u32  }
0x8: {  	s23 =	simm.s32 $0x2780;
	[smem:$0x7FF] =	sst s3;
	s7 =	smul.u32 $0x140000, s5  }
0x9: {  	s4 =	sadd.s32 $0xC000, s6;
	s10 =	sadd.s32 $0x2000, s6;
	s8 =	smul.u32 $0x14000, s2  }
0xa: {  	_ =	strace $0x8000004A;
	s24 =	sshll.u32 s2, $0x1;
	s11 =	ssub.s32 $0x2, s5  }
0xb: {  	s25 =	smul.u32 $0x50000, s2;
	s28 =	sshll.u32 s2, $0x6;
	s5 =	sor.u32 s5, s24  }
0xc: {  	s12 =	sshrl.u32 s11, $0x1;
	s24 =	simm.s32 $0x0;
	s7 =	sadd.s32 s8, s7  }
0xd: {  	s13 =	smul.u32 $0x2800, s5;
	s5 =	sadd.s32 $0x34000, s6;
	s26 =	sshrl.u32 s25, $0x2  }
0xe: {  	s12 =	ssub.s32 s11, s12;
	s7 =	sshrl.u32 s7, $0x3;
	s30 =	sadd.s32 s26, s1  }
0xf: {  	s12 =	smax.u32 s12, $0x1;
	s14 =	sadd.s32 s7, s6;
	s29 =	sshrl.u32 s13, $0x3  }
0x10: {  	s6 =	sor.u32 $0x1C03, s28;
	s13 =	sshrl.u32 s30, $0x3;
	s31 =	sadd.s32 $0x280, s29  }
0x11: {  	s7 =	sadd.s32 s9, s29;
	s8 =	sadd.s32 s10, s29;
	s11 =	sadd.s32 $0x36800, s14  }
0x12: {  	s14 =	simm.s32 $0x3;
	s9 =	sadd.s32 s9, s31;
	s10 =	sadd.s32 s10, s31  }
.LBB2_1:
0x13: {  	[spmem:s13], [sflag:s6] =	dma.local [hbm:s5], $0x2800  }
0x14: {  	_ =	swait.ge [sflag:s14], $0x2800  }
0x15: {  	[sflag:s14] =	ssyncset.done $0x0  }
0x16: {  	[sflag:s14] =	ssyncadd.s32 $0xFFFFD800  }
0x17: {  	[bflag:$0x0] =	sbarrier.arrive $0xFFFF  }
0x18: {  	[tilespmem:s3], [sflag:$0x3] =	stream.linear.gather [hbm4b:s7+s3], $0x1400, $0x38;
	[tilespmem:$0x1E800] =	vst v63  }
0x19: {  	_ =	swait.ge [sflag:s14], $0x1400  }
0x1a: {  	[sflag:s14] =	ssyncset.done $0x0  }
0x1b: {  	[sflag:s14] =	ssyncadd.s32 $0xFFFFEC00  }
0x1c: {  	[tilespmem:s15], [sflag:$0x3] =	stream.linear.gather [hbm4b:s8+s3], $0x1400, $0x38;
	[tilespmem:$0x1E800] =	vst v63  }
0x1d: {  	_ =	swait.ge [sflag:s14], $0x1400  }
0x1e: {  	[sflag:s14] =	ssyncset.done $0x0  }
0x1f: {  	[sflag:s14] =	ssyncadd.s32 $0xFFFFEC00  }
0x20: {  	[tilespmem:s17], [sflag:$0x1] =	stream.indirect.gather [hbm4b:s4+s16], $0x80, s3, s16, $0xb8;
	[tilespmem:$0x1E800] =	vst v63  }
0x21: {  	s25 =	simm.s32 $0x80  }
0x22: {  	[tilespmem:s18], [sflag:$0x2] =	stream.indirect.gather [hbm4b:s4+s16], $0x80, s25, s16, $0xb8;
	[tilespmem:$0x1E800] =	vst v63  }
0x23: {  	_ =	swait.ge [sflag:s19], $0x4000  }
0x24: {  	[sflag:s19] =	ssyncset.done $0x0  }
0x25: {  	s29 =	simm.s32 $0x1400;
	[sflag:s19] =	ssyncadd.s32 $0xFFFFC000  }
0x26: {  	[spmem:s1] =	stream.indirect.scatter.add.f32 [tilespmem:s17], [sflag:$0x3], $0x80, s29, s16, $0xb8;
	[tilespmem:$0x1E800] =	vst v63  }
0x27: {  	_ =	swait.ge [sflag:s14], $0x4000  }
0x28: {  	[sflag:s14] =	ssyncset.done $0x0  }
0x29: {  	s30 =	simm.s32 $0x100;
	[sflag:s14] =	ssyncadd.s32 $0xFFFFC000  }
0x2a: {  	[tilespmem:s17], [sflag:$0x1] =	stream.indirect.gather [hbm4b:s4+s16], $0x80, s30, s16, $0xb8;
	[tilespmem:$0x1E800] =	vst v63  }
0x2b: {  	_ =	swait.ge [sflag:s20], $0x4000  }
0x2c: {  	[sflag:s20] =	ssyncset.done $0x0  }
0x2d: {  	s31 =	simm.s32 $0x1480;
	[sflag:s20] =	ssyncadd.s32 $0xFFFFC000  }
0x2e: {  	[spmem:s1] =	stream.indirect.scatter.add.f32 [tilespmem:s18], [sflag:$0x3], $0x80, s31, s16, $0xb8;
	[tilespmem:$0x1E800] =	vst v63  }
0x2f: {  	_ =	swait.ge [sflag:s14], $0x4000  }
0x30: {  	s26 =	simm.s32 $0x800;
	s25 =	simm.s32 $0x100;
	[sflag:s14] =	ssyncset.done $0x0  }
.LBB2_2:
0x31: {  	s28 =	sadd.s32 $0x80, s25  }
0x32: {  	[sflag:s14] =	ssyncadd.s32 $0xFFFFC000;
	s29 =	smov.u32 s26;
	s30 =	sadd.s32 $0x400, s26  }
0x33: {  	[tilespmem:s18], [sflag:$0x2] =	stream.indirect.gather [hbm4b:s4+s16], $0x80, s28, s16, $0xb8;
	[tilespmem:$0x1E800] =	vst v63  }
0x34: {  	p0 =	sne.s32 s26, $0x4800;
	_ =	swait.ge [sflag:s19], $0x4000  }
0x35: {  	[sflag:s19] =	ssyncset.done $0x0  }
0x36: {  	s26 =	sadd.s32 $0x1400, s25;
	[sflag:s19] =	ssyncadd.s32 $0xFFFFC000  }
0x37: {  	[spmem:s1] =	stream.indirect.scatter.add.f32 [tilespmem:s17], [sflag:$0x3], $0x80, s26, s16, $0xb8;
	[tilespmem:$0x1E800] =	vst v63  }
0x38: {  	_ =	swait.ge [sflag:s14], $0x4000  }
0x39: {  	[sflag:s14] =	ssyncset.done $0x0  }
0x3a: {  	s26 =	sadd.s32 $0x100, s25;
	[sflag:s14] =	ssyncadd.s32 $0xFFFFC000  }
0x3b: {  	[tilespmem:s17], [sflag:$0x1] =	stream.indirect.gather [hbm4b:s4+s16], $0x80, s26, s16, $0xb8;
	[tilespmem:$0x1E800] =	vst v63  }
0x3c: {  	_ =	swait.ge [sflag:s20], $0x4000  }
.Ltmp0:
0x3d: {  	[sflag:s20] =	ssyncset.done $0x0;
	(pc) =	sbr.rel @p0 .LBB2_2-.Ltmp0, $4  }
0x3e: {  	s25 =	sadd.s32 $0x1480, s25;
	[sflag:s20] =	ssyncadd.s32 $0xFFFFC000  }
0x3f: {  	[spmem:s1] =	stream.indirect.scatter.add.f32 [tilespmem:s18], [sflag:$0x3], $0x80, s25, s16, $0xb8;
	[tilespmem:$0x1E800] =	vst v63  }
0x40: {  	_ =	swait.ge [sflag:s14], $0x4000  }
0x41: {  	s26 =	smov.u32 s30;
	s25 =	sshra.s32 s29, $0x2;
	[sflag:s14] =	ssyncset.done $0x0  }
0x42: {  	s26 =	sadd.s32 $0x80, s25;
	[sflag:s14] =	ssyncadd.s32 $0xFFFFC000  }
0x43: {  	[tilespmem:s18], [sflag:$0x2] =	stream.indirect.gather [hbm4b:s4+s16], $0x80, s26, s16, $0xb8;
	[tilespmem:$0x1E800] =	vst v63  }
0x44: {  	_ =	swait.ge [sflag:s19], $0x4000  }
0x45: {  	[sflag:s19] =	ssyncset.done $0x0  }
0x46: {  	s29 =	sadd.s32 $0x1400, s25;
	[sflag:s19] =	ssyncadd.s32 $0xFFFFC000  }
0x47: {  	[spmem:s1] =	stream.indirect.scatter.add.f32 [tilespmem:s17], [sflag:$0x3], $0x80, s29, s16, $0xb8;
	[tilespmem:$0x1E800] =	vst v63  }
0x48: {  	_ =	swait.ge [sflag:s14], $0x4000  }
0x49: {  	[sflag:s14] =	ssyncset.done $0x0  }
0x4a: {  	s30 =	sadd.s32 $0x100, s25;
	[sflag:s14] =	ssyncadd.s32 $0xFFFFC000  }
0x4b: {  	[tilespmem:s17], [sflag:$0x1] =	stream.indirect.gather [hbm4b:s4+s16], $0x80, s30, s16, $0xb8;
	[tilespmem:$0x1E800] =	vst v63  }
0x4c: {  	_ =	swait.ge [sflag:s20], $0x4000  }
0x4d: {  	[sflag:s20] =	ssyncset.done $0x0  }
0x4e: {  	s31 =	sadd.s32 $0x1480, s25;
	[sflag:s20] =	ssyncadd.s32 $0xFFFFC000  }
0x4f: {  	[spmem:s1] =	stream.indirect.scatter.add.f32 [tilespmem:s18], [sflag:$0x3], $0x80, s31, s16, $0xb8;
	[tilespmem:$0x1E800] =	vst v63  }
0x50: {  	_ =	swait.ge [sflag:s14], $0x4000  }
0x51: {  	[sflag:s14] =	ssyncset.done $0x0  }
0x52: {  	[sflag:s14] =	ssyncadd.s32 $0xFFFFC000  }
0x53: {  	[tilespmem:s18], [sflag:$0x2] =	stream.indirect.gather [hbm4b:s4+s16], $0x80, s21, s16, $0xb8;
	[tilespmem:$0x1E800] =	vst v63  }
0x54: {  	_ =	swait.ge [sflag:s19], $0x4000  }
0x55: {  	[sflag:s19] =	ssyncset.done $0x0  }
0x56: {  	[sflag:s19] =	ssyncadd.s32 $0xFFFFC000  }
0x57: {  	[spmem:s1] =	stream.indirect.scatter.add.f32 [tilespmem:s17], [sflag:$0x3], $0x80, s22, s16, $0xb8;
	[tilespmem:$0x1E800] =	vst v63  }
0x58: {  	_ =	swait.ge [sflag:s14], $0x4000  }
0x59: {  	[sflag:s14] =	ssyncset.done $0x0  }
0x5a: {  	[sflag:s14] =	ssyncadd.s32 $0xFFFFC000  }
0x5b: {  	_ =	swait.ge [sflag:s20], $0x4000  }
0x5c: {  	[sflag:s20] =	ssyncset.done $0x0  }
0x5d: {  	[sflag:s20] =	ssyncadd.s32 $0xFFFFC000  }
0x5e: {  	[spmem:s1] =	stream.indirect.scatter.add.f32 [tilespmem:s18], [sflag:$0x3], $0x80, s23, s16, $0xb8;
	[tilespmem:$0x1E800] =	vst v63  }
0x5f: {  	_ =	swait.ge [sflag:s14], $0x4000  }
0x60: {  	[sflag:s14] =	ssyncset.done $0x0  }
0x61: {  	s26 =	simm.s32 $0x0;
	[sflag:s14] =	ssyncadd.s32 $0xFFFFC000  }
0x62: {  	[tilespmem:s26], [sflag:$0x3] =	stream.linear.gather [hbm4b:s9+s26], $0x1400, $0x38;
	[tilespmem:$0x1E800] =	vst v63  }
0x63: {  	_ =	swait.ge [sflag:s14], $0x1400  }
0x64: {  	[sflag:s14] =	ssyncset.done $0x0  }
0x65: {  	[sflag:s14] =	ssyncadd.s32 $0xFFFFEC00  }
0x66: {  	[tilespmem:s15], [sflag:$0x3] =	stream.linear.gather [hbm4b:s10+s26], $0x1400, $0x38;
	[tilespmem:$0x1E800] =	vst v63  }
0x67: {  	_ =	swait.ge [sflag:s14], $0x1400  }
0x68: {  	[sflag:s14] =	ssyncset.done $0x0  }
0x69: {  	[sflag:s14] =	ssyncadd.s32 $0xFFFFEC00  }
0x6a: {  	[tilespmem:s17], [sflag:$0x1] =	stream.indirect.gather [hbm4b:s4+s16], $0x80, s26, s16, $0xb8;
	[tilespmem:$0x1E800] =	vst v63  }
0x6b: {  	s28 =	simm.s32 $0x80  }
0x6c: {  	[tilespmem:s18], [sflag:$0x2] =	stream.indirect.gather [hbm4b:s4+s16], $0x80, s28, s16, $0xb8;
	[tilespmem:$0x1E800] =	vst v63  }
0x6d: {  	_ =	swait.ge [sflag:s19], $0x4000  }
0x6e: {  	[sflag:s19] =	ssyncset.done $0x0  }
0x6f: {  	s29 =	simm.s32 $0x1400;
	[sflag:s19] =	ssyncadd.s32 $0xFFFFC000  }
0x70: {  	[spmem:s1] =	stream.indirect.scatter.add.f32 [tilespmem:s17], [sflag:$0x3], $0x80, s29, s16, $0xb8;
	[tilespmem:$0x1E800] =	vst v63  }
0x71: {  	_ =	swait.ge [sflag:s14], $0x4000  }
0x72: {  	[sflag:s14] =	ssyncset.done $0x0  }
0x73: {  	s30 =	simm.s32 $0x100;
	[sflag:s14] =	ssyncadd.s32 $0xFFFFC000  }
0x74: {  	[tilespmem:s17], [sflag:$0x1] =	stream.indirect.gather [hbm4b:s4+s16], $0x80, s30, s16, $0xb8;
	[tilespmem:$0x1E800] =	vst v63  }
0x75: {  	_ =	swait.ge [sflag:s20], $0x4000  }
0x76: {  	[sflag:s20] =	ssyncset.done $0x0  }
0x77: {  	s31 =	simm.s32 $0x1480;
	[sflag:s20] =	ssyncadd.s32 $0xFFFFC000  }
0x78: {  	[spmem:s1] =	stream.indirect.scatter.add.f32 [tilespmem:s18], [sflag:$0x3], $0x80, s31, s16, $0xb8;
	[tilespmem:$0x1E800] =	vst v63  }
0x79: {  	_ =	swait.ge [sflag:s14], $0x4000  }
0x7a: {  	s25 =	simm.s32 $0x100;
	s26 =	simm.s32 $0x800;
	[sflag:s14] =	ssyncset.done $0x0  }
.LBB2_4:
0x7b: {  	s28 =	sadd.s32 $0x80, s25  }
0x7c: {  	[sflag:s14] =	ssyncadd.s32 $0xFFFFC000;
	s29 =	smov.u32 s26;
	s30 =	sadd.s32 $0x400, s26  }
0x7d: {  	[tilespmem:s18], [sflag:$0x2] =	stream.indirect.gather [hbm4b:s4+s16], $0x80, s28, s16, $0xb8;
	[tilespmem:$0x1E800] =	vst v63  }
0x7e: {  	p0 =	sne.s32 s26, $0x4800;
	_ =	swait.ge [sflag:s19], $0x4000  }
0x7f: {  	[sflag:s19] =	ssyncset.done $0x0  }
0x80: {  	s26 =	sadd.s32 $0x1400, s25;
	[sflag:s19] =	ssyncadd.s32 $0xFFFFC000  }
0x81: {  	[spmem:s1] =	stream.indirect.scatter.add.f32 [tilespmem:s17], [sflag:$0x3], $0x80, s26, s16, $0xb8;
	[tilespmem:$0x1E800] =	vst v63  }
0x82: {  	_ =	swait.ge [sflag:s14], $0x4000  }
0x83: {  	[sflag:s14] =	ssyncset.done $0x0  }
0x84: {  	s26 =	sadd.s32 $0x100, s25;
	[sflag:s14] =	ssyncadd.s32 $0xFFFFC000  }
0x85: {  	[tilespmem:s17], [sflag:$0x1] =	stream.indirect.gather [hbm4b:s4+s16], $0x80, s26, s16, $0xb8;
	[tilespmem:$0x1E800] =	vst v63  }
0x86: {  	_ =	swait.ge [sflag:s20], $0x4000  }
.Ltmp1:
0x87: {  	[sflag:s20] =	ssyncset.done $0x0;
	(pc) =	sbr.rel @p0 .LBB2_4-.Ltmp1, $4  }
0x88: {  	s25 =	sadd.s32 $0x1480, s25;
	[sflag:s20] =	ssyncadd.s32 $0xFFFFC000  }
0x89: {  	[spmem:s1] =	stream.indirect.scatter.add.f32 [tilespmem:s18], [sflag:$0x3], $0x80, s25, s16, $0xb8;
	[tilespmem:$0x1E800] =	vst v63  }
0x8a: {  	_ =	swait.ge [sflag:s14], $0x4000  }
0x8b: {  	s26 =	smov.u32 s30;
	s25 =	sshra.s32 s29, $0x2;
	[sflag:s14] =	ssyncset.done $0x0  }
0x8c: {  	s26 =	sadd.s32 $0x80, s25;
	[sflag:s14] =	ssyncadd.s32 $0xFFFFC000  }
0x8d: {  	[tilespmem:s18], [sflag:$0x2] =	stream.indirect.gather [hbm4b:s4+s16], $0x80, s26, s16, $0xb8;
	[tilespmem:$0x1E800] =	vst v63  }
0x8e: {  	_ =	swait.ge [sflag:s19], $0x4000  }
0x8f: {  	[sflag:s19] =	ssyncset.done $0x0  }
0x90: {  	s29 =	sadd.s32 $0x1400, s25;
	[sflag:s19] =	ssyncadd.s32 $0xFFFFC000  }
0x91: {  	[spmem:s1] =	stream.indirect.scatter.add.f32 [tilespmem:s17], [sflag:$0x3], $0x80, s29, s16, $0xb8;
	[tilespmem:$0x1E800] =	vst v63  }
0x92: {  	_ =	swait.ge [sflag:s14], $0x4000  }
0x93: {  	[sflag:s14] =	ssyncset.done $0x0  }
0x94: {  	s30 =	sadd.s32 $0x100, s25;
	[sflag:s14] =	ssyncadd.s32 $0xFFFFC000  }
0x95: {  	[tilespmem:s17], [sflag:$0x1] =	stream.indirect.gather [hbm4b:s4+s16], $0x80, s30, s16, $0xb8;
	[tilespmem:$0x1E800] =	vst v63  }
0x96: {  	_ =	swait.ge [sflag:s20], $0x4000  }
0x97: {  	[sflag:s20] =	ssyncset.done $0x0  }
0x98: {  	s31 =	sadd.s32 $0x1480, s25;
	[sflag:s20] =	ssyncadd.s32 $0xFFFFC000  }
0x99: {  	[spmem:s1] =	stream.indirect.scatter.add.f32 [tilespmem:s18], [sflag:$0x3], $0x80, s31, s16, $0xb8;
	[tilespmem:$0x1E800] =	vst v63  }
0x9a: {  	_ =	swait.ge [sflag:s14], $0x4000  }
0x9b: {  	[sflag:s14] =	ssyncset.done $0x0  }
0x9c: {  	[sflag:s14] =	ssyncadd.s32 $0xFFFFC000  }
0x9d: {  	[tilespmem:s18], [sflag:$0x2] =	stream.indirect.gather [hbm4b:s4+s16], $0x80, s21, s16, $0xb8;
	[tilespmem:$0x1E800] =	vst v63  }
0x9e: {  	_ =	swait.ge [sflag:s19], $0x4000  }
0x9f: {  	[sflag:s19] =	ssyncset.done $0x0  }
0xa0: {  	[sflag:s19] =	ssyncadd.s32 $0xFFFFC000  }
0xa1: {  	[spmem:s1] =	stream.indirect.scatter.add.f32 [tilespmem:s17], [sflag:$0x3], $0x80, s22, s16, $0xb8;
	[tilespmem:$0x1E800] =	vst v63  }
0xa2: {  	_ =	swait.ge [sflag:s14], $0x4000  }
0xa3: {  	[sflag:s14] =	ssyncset.done $0x0  }
0xa4: {  	[sflag:s14] =	ssyncadd.s32 $0xFFFFC000  }
0xa5: {  	_ =	swait.ge [sflag:s20], $0x4000  }
0xa6: {  	[sflag:s20] =	ssyncset.done $0x0  }
0xa7: {  	[sflag:s20] =	ssyncadd.s32 $0xFFFFC000  }
0xa8: {  	[spmem:s1] =	stream.indirect.scatter.add.f32 [tilespmem:s18], [sflag:$0x3], $0x80, s23, s16, $0xb8;
	[tilespmem:$0x1E800] =	vst v63  }
0xa9: {  	_ =	swait.ge [sflag:s14], $0x4000  }
0xaa: {  	s24 =	sadd.s32 $0x1, s24;
	[sflag:s14] =	ssyncset.done $0x0  }
0xab: {  	p0 =	sne.s32 s24, s12;
	[sflag:s14] =	ssyncadd.s32 $0xFFFFC000  }
.Ltmp2:
0xac: {  	[bflag:$0x0] =	sbarrier.arrive $0xFFFF;
	(pc) =	sbr.rel @p0 .LBB2_1-.Ltmp2, $4  }
0xad: {  	[hbm:s11], [sflag:s6] =	dma.local [spmem:s13], $0x2800  }
0xae: {  	_ =	swait.ge [sflag:s14], $0x2800  }
0xaf: {  	[sflag:s14] =	ssyncset.done $0x0  }
0xb0: {  	[sflag:s14] =	ssyncadd.s32 $0xFFFFD800  }
0xb1: {  	_ =	sfence.sel $0x180000  }
0xb2: {  	[bflag:$0x0] =	sbarrier.arrive $0xFFFF  }
0xb3: {  	p0 =	sne.s32 s2, $0x0;
	_ =	strace $0x9000004A  }
0xb4: {  	s0 =	sadd.s32 @!p0 $0x100000, s0;
	[bflag:$0x2] =	sbarrier.arrive $0xFFFF  }
0xb5: {  	[sflag:s0] =	ssyncadd.tile.s32 @!p0 $0x1;
	_ =	shalt  }
.Lfunc_end2:
_tile_overlayer_lowered:
.L_overlay_start_2:
0xb6: {  	(tag) =	ssettag $0x2  }
0xb7: {  	s0 =	rddreg [dreg:$0x0];
	s2 =	stileid.u32  }
0xb8: {  	s1 =	rddreg [dreg:$0x1];
	p0 =	sne.s32 s2, $0x0  }
0xb9: {  	s3 =	rddreg [dreg:$0x2];
	[bflag:$0x3] =	sbarrier.arrive $0xFFFF;
	s2 =	simm.s32 @!p0 $0x1C03  }
0xba: {  	[timem:s3], [sflag:s2] =	dma.local @!p0 [hbm:s0], s1  }
0xbb: {  	s0 =	simm.s32 @!p0 $0x3  }
0xbc: {  	_ =	swait.ge @!p0 [sflag:s0], s1  }
0xbd: {  	s1 =	ssub.s32 @!p0 $0x0, s1;
	[sflag:s0] =	ssyncset.done @!p0 $0x0  }
0xbe: {  	[sflag:s0] =	ssyncadd.s32 @!p0 s1  }
0xbf: {  	[bflag:$0x3] =	sbarrier.arrive $0xFFFF  }
0xc0: {  	_ =	shalt  }

</sc_bundles>
